<compile_context>
chip_gen: v7x
topology: tpu7x:2x2x1
jax: 0.10.2.dev20260603
libtpu: 0.0.44.dev20260713+nightly
codegen_flags: <defaults>
</compile_context>

<pallas_src>
import jax
import jax.numpy as jnp
from jax import lax
from jax.experimental import pallas as pl
from jax.experimental.pallas import tpu as pltpu
from jax.experimental.pallas import tpu_sc as plsc

D_MODEL = 128
BATCH = 16384
LANES = 16

_info = plsc.get_sparse_core_info()
NUM_CORES = _info.num_cores
NUM_SUBCORES = _info.num_subcores
NW = NUM_CORES * NUM_SUBCORES
BPW = BATCH // NW
CHUNK = 128
NCHUNK = BPW // CHUNK
DEPTH = 3


def _body(x_hbm, t_hbm, pe_hbm, out_hbm, idx_v, x_big, *rest):
    pe_bufs = rest[:DEPTH]
    gsems = rest[DEPTH:2 * DEPTH]
    xsems = rest[2 * DEPTH:2 * DEPTH + NCHUNK]
    osem = rest[2 * DEPTH + NCHUNK]

    wid = lax.axis_index("s") * NUM_CORES + lax.axis_index("c")
    base = wid * BPW
    pltpu.sync_copy(t_hbm.at[pl.ds(base, BPW)], idx_v)

    copies = [None] * NCHUNK
    xcopies = [None] * NCHUNK
    for ci in range(NCHUNK):
        if ci < DEPTH:
            copies[ci] = pltpu.async_copy(
                pe_hbm.at[idx_v.at[pl.ds(ci * CHUNK, CHUNK)]],
                pe_bufs[ci], gsems[ci])
        xcopies[ci] = pltpu.async_copy(
            x_hbm.at[pl.ds(base + ci * CHUNK, CHUNK)],
            x_big.at[pl.ds(ci * CHUNK, CHUNK)], xsems[ci])

    stores = []
    for ci in range(NCHUNK):
        k = ci % DEPTH
        copies[ci].wait()
        xcopies[ci].wait()
        pe_b = pe_bufs[k]

        @plsc.parallel_loop(0, CHUNK, unroll=2)
        def _row(r):
            xr = ci * CHUNK + r
            for j in range(D_MODEL // LANES):
                sl = pl.ds(j * LANES, LANES)
                plsc.addupdate(x_big.at[xr, sl], pe_b[r, sl])

        if ci + DEPTH < NCHUNK:
            copies[ci + DEPTH] = pltpu.async_copy(
                pe_hbm.at[idx_v.at[pl.ds((ci + DEPTH) * CHUNK, CHUNK)]],
                pe_b, gsems[k])
        stores.append(pltpu.async_copy(
            x_big.at[pl.ds(ci * CHUNK, CHUNK)],
            out_hbm.at[pl.ds(base + ci * CHUNK, CHUNK)], osem))
    for s in stores:
        s.wait()


@jax.jit
def _run(x, t, pe2d):
    mesh = plsc.VectorSubcoreMesh(core_axis_name="c", subcore_axis_name="s")
    k = pl.kernel(
        _body,
        mesh=mesh,
        out_type=jax.ShapeDtypeStruct((BATCH, D_MODEL), jnp.float32),
        scratch_types=(
            [pltpu.VMEM((BPW,), jnp.int32),
             pltpu.VMEM((BPW, D_MODEL), jnp.float32)]
            + [pltpu.VMEM((CHUNK, D_MODEL), jnp.float32)] * DEPTH
            + [pltpu.SemaphoreType.DMA] * (DEPTH + NCHUNK + 1)
        ),
    )
    return k(x, t, pe2d)


def kernel(x, t, pe):
    out = _run(x, t.astype(jnp.int32), pe.reshape(pe.shape[1], pe.shape[2]))
    return out[None]

# --- scband reference (transcript-rebuilt; emitter-appended) ---
"""Pipeline reference for scband-time-step-encoding-27419071217917 (READ-ONLY COPY).

The authoritative reference and input builder live on the scoring server;
editing this copy changes nothing except your own understanding.
"""

import jax, jax.numpy as jnp
import numpy as np
import math

D_MODEL = 128
MAX_LEN = 5000
BATCH = 16384

def _make_pe():
    pe = np.zeros((MAX_LEN, D_MODEL), dtype=np.float32)
    position = np.arange(0, MAX_LEN, dtype=np.float32)[:, None]
    div_term = np.exp(np.arange(0, D_MODEL, 2, dtype=np.float32) * -(math.log(10000.0) / D_MODEL))
    pe[:, 0::2] = np.sin(position * div_term)
    pe[:, 1::2] = np.cos(position * div_term)
    return jnp.asarray(pe[None, :, :])  # [1, max_len, d_model]

def setup_inputs(seed: int = 0) -> dict:
    key = jax.random.key(seed)
    k1, k2 = jax.random.split(key)
    x = jax.random.normal(k1, (BATCH, D_MODEL), dtype=jnp.float32)
    t = jax.random.randint(k2, (BATCH,), 0, MAX_LEN, dtype=jnp.int64 if jax.config.read('jax_enable_x64') else jnp.int32)
    pe = _make_pe()
    return {"x": x, "t": t, "pe": pe}

def reference(x, t, pe):
    # x: [B, d_model]; t: [B] int indices; pe: [1, max_len, d_model]
    # Original torch: x = x + self.pe[:, t]  -> gather rows of pe by t, broadcast-add
    gathered = pe[:, t]  # [1, B, d_model] via jnp.take on axis 1
    return x + gathered  # broadcast -> [1, B, d_model]

if __name__ == "__main__":
    import jax
    _d = setup_inputs()
    print(jax.jit(kernel)(*tuple(_d.values())))

</pallas_src>

<mosaic_0001>
#map = affine_map<(d0, d1) -> (0, 0)>
#map1 = affine_map<(d0, d1) -> (0)>
module attributes {stable_mosaic.version = 14 : i64} {
  func.func @_body(%arg0: i32, %arg1: i32, %arg2: memref<16384x128xf32, #tpu.memory_space<hbm>>, %arg3: memref<16384xi32, #tpu.memory_space<hbm>>, %arg4: memref<5000x128xf32, #tpu.memory_space<hbm>>, %arg5: memref<16384x128xf32, #tpu.memory_space<hbm>>, %arg6: memref<512xi32, #tpu.memory_space<vmem>>, %arg7: memref<512x128xf32, #tpu.memory_space<vmem>>, %arg8: memref<128x128xf32, #tpu.memory_space<vmem>>, %arg9: memref<128x128xf32, #tpu.memory_space<vmem>>, %arg10: memref<128x128xf32, #tpu.memory_space<vmem>>, %arg11: memref<!tpu.dma_semaphore, #tpu.memory_space<semaphore_mem>>, %arg12: memref<!tpu.dma_semaphore, #tpu.memory_space<semaphore_mem>>, %arg13: memref<!tpu.dma_semaphore, #tpu.memory_space<semaphore_mem>>, %arg14: memref<!tpu.dma_semaphore, #tpu.memory_space<semaphore_mem>>, %arg15: memref<!tpu.dma_semaphore, #tpu.memory_space<semaphore_mem>>, %arg16: memref<!tpu.dma_semaphore, #tpu.memory_space<semaphore_mem>>, %arg17: memref<!tpu.dma_semaphore, #tpu.memory_space<semaphore_mem>>, %arg18: memref<!tpu.dma_semaphore, #tpu.memory_space<semaphore_mem>>) attributes {dimension_semantics = [#tpu.dimension_semantics<core_parallel>, #tpu.dimension_semantics<subcore_parallel>], iteration_bounds = array<i64: 2, 16>, scalar_prefetch = 0 : i64, scratch_operands = 13 : i64, tpu.core_type = #tpu.core_type<sc_vector_subcore>, window_params = [{transform_indices = #map}, {transform_indices = #map1}, {transform_indices = #map}, {transform_indices = #map}]} {
    %mul3A = arith.constant 2 : i32
    %mul3A_0 = arith.muli %arg1, %mul3A : i32
    %add3A = arith.addi %mul3A_0, %arg0 : i32
    %mul3A_1 = arith.constant 512 : i32
    %mul3A_2 = arith.muli %add3A, %mul3A_1 : i32
    "tpu.region"() ({
      %run_scoped3A = tpu.sem_alloc : memref<!tpu.dma_semaphore, #tpu.memory_space<semaphore_mem>>
      %dma_start3A_228 = tpu.memref_slice %arg3[%mul3A_2] : memref<16384xi32, #tpu.memory_space<hbm>> -> memref<512xi32, #tpu.memory_space<hbm>>
      %dma_start3A_229 = tpu.memref_slice %arg3[%mul3A_2] : memref<16384xi32, #tpu.memory_space<hbm>> -> memref<512xi32, #tpu.memory_space<hbm>>
      tpu.enqueue_dma source(%dma_start3A_229 : memref<512xi32, #tpu.memory_space<hbm>>) target(%arg6 : memref<512xi32, #tpu.memory_space<vmem>>) target_semaphore(%run_scoped3A : memref<!tpu.dma_semaphore, #tpu.memory_space<semaphore_mem>>)
      %dma_wait3A_230 = tpu.memref_slice %arg3[%mul3A_2] : memref<16384xi32, #tpu.memory_space<hbm>> -> memref<512xi32, #tpu.memory_space<hbm>>
      %dma_wait3A_231 = tpu.memref_slice %arg3[%mul3A_2] : memref<16384xi32, #tpu.memory_space<hbm>> -> memref<512xi32, #tpu.memory_space<hbm>>
      tpu.wait_dma2 semaphore(%run_scoped3A : memref<!tpu.dma_semaphore, #tpu.memory_space<semaphore_mem>>) src(%dma_wait3A_231 : memref<512xi32, #tpu.memory_space<hbm>>) dst(%arg6 : memref<512xi32, #tpu.memory_space<vmem>>)
      tpu.yield
    }) : () -> ()
    %dma_start3A = arith.constant 0 : i32
    %dma_start3A_3 = tpu.memref_slice %arg6[%dma_start3A] : memref<512xi32, #tpu.memory_space<vmem>> -> memref<128xi32, #tpu.memory_space<vmem>>
    %dma_start3A_4 = arith.constant 0 : i32
    %dma_start3A_5 = arith.constant 0 : i32
    %dma_start3A_6 = tpu.memref_slice %arg4[%dma_start3A_4, %dma_start3A_5] : memref<5000x128xf32, #tpu.memory_space<hbm>> -> memref<5000x128xf32, #tpu.memory_space<hbm>>
    tpu.enqueue_indirect_dma source(%dma_start3A_6 : memref<5000x128xf32, #tpu.memory_space<hbm>>) target(%arg8 : memref<128x128xf32, #tpu.memory_space<vmem>>) offsets(%dma_start3A_3 : memref<128xi32, #tpu.memory_space<vmem>>) semaphore(%arg11 : memref<!tpu.dma_semaphore, #tpu.memory_space<semaphore_mem>>)
    %add3A_7 = arith.constant 0 : i32
    %add3A_8 = arith.addi %mul3A_2, %add3A_7 : i32
    %dma_start3A_9 = arith.constant 0 : i32
    %dma_start3A_10 = arith.constant 0 : i32
    %dma_start3A_11 = tpu.memref_slice %arg7[%dma_start3A_9, %dma_start3A_10] : memref<512x128xf32, #tpu.memory_space<vmem>> -> memref<128x128xf32, #tpu.memory_space<vmem>>
    %dma_start3A_12 = arith.constant 0 : i32
    %dma_start3A_13 = tpu.memref_slice %arg2[%add3A_8, %dma_start3A_12] : memref<16384x128xf32, #tpu.memory_space<hbm>> -> memref<128x128xf32, #tpu.memory_space<hbm>>
    %dma_start3A_14 = arith.constant 0 : i32
    %dma_start3A_15 = arith.constant 0 : i32
    %dma_start3A_16 = tpu.memref_slice %arg7[%dma_start3A_14, %dma_start3A_15] : memref<512x128xf32, #tpu.memory_space<vmem>> -> memref<128x128xf32, #tpu.memory_space<vmem>>
    %dma_start3A_17 = arith.constant 0 : i32
    %dma_start3A_18 = tpu.memref_slice %arg2[%add3A_8, %dma_start3A_17] : memref<16384x128xf32, #tpu.memory_space<hbm>> -> memref<128x128xf32, #tpu.memory_space<hbm>>
    tpu.enqueue_dma source(%dma_start3A_18 : memref<128x128xf32, #tpu.memory_space<hbm>>) target(%dma_start3A_16 : memref<128x128xf32, #tpu.memory_space<vmem>>) target_semaphore(%arg14 : memref<!tpu.dma_semaphore, #tpu.memory_space<semaphore_mem>>)
    %dma_start3A_19 = arith.constant 128 : i32
    %dma_start3A_20 = tpu.memref_slice %arg6[%dma_start3A_19] : memref<512xi32, #tpu.memory_space<vmem>> -> memref<128xi32, #tpu.memory_space<vmem>>
    %dma_start3A_21 = arith.constant 0 : i32
    %dma_start3A_22 = arith.constant 0 : i32
    %dma_start3A_23 = tpu.memref_slice %arg4[%dma_start3A_21, %dma_start3A_22] : memref<5000x128xf32, #tpu.memory_space<hbm>> -> memref<5000x128xf32, #tpu.memory_space<hbm>>
    tpu.enqueue_indirect_dma source(%dma_start3A_23 : memref<5000x128xf32, #tpu.memory_space<hbm>>) target(%arg9 : memref<128x128xf32, #tpu.memory_space<vmem>>) offsets(%dma_start3A_20 : memref<128xi32, #tpu.memory_space<vmem>>) semaphore(%arg12 : memref<!tpu.dma_semaphore, #tpu.memory_space<semaphore_mem>>)
    %add3A_24 = arith.constant 128 : i32
    %add3A_25 = arith.addi %mul3A_2, %add3A_24 : i32
    %dma_start3A_26 = arith.constant 128 : i32
    %dma_start3A_27 = arith.constant 0 : i32
    %dma_start3A_28 = tpu.memref_slice %arg7[%dma_start3A_26, %dma_start3A_27] : memref<512x128xf32, #tpu.memory_space<vmem>> -> memref<128x128xf32, #tpu.memory_space<vmem>>
    %dma_start3A_29 = arith.constant 0 : i32
    %dma_start3A_30 = tpu.memref_slice %arg2[%add3A_25, %dma_start3A_29] : memref<16384x128xf32, #tpu.memory_space<hbm>> -> memref<128x128xf32, #tpu.memory_space<hbm>>
    %dma_start3A_31 = arith.constant 128 : i32
    %dma_start3A_32 = arith.constant 0 : i32
    %dma_start3A_33 = tpu.memref_slice %arg7[%dma_start3A_31, %dma_start3A_32] : memref<512x128xf32, #tpu.memory_space<vmem>> -> memref<128x128xf32, #tpu.memory_space<vmem>>
    %dma_start3A_34 = arith.constant 0 : i32
    %dma_start3A_35 = tpu.memref_slice %arg2[%add3A_25, %dma_start3A_34] : memref<16384x128xf32, #tpu.memory_space<hbm>> -> memref<128x128xf32, #tpu.memory_space<hbm>>
    tpu.enqueue_dma source(%dma_start3A_35 : memref<128x128xf32, #tpu.memory_space<hbm>>) target(%dma_start3A_33 : memref<128x128xf32, #tpu.memory_space<vmem>>) target_semaphore(%arg15 : memref<!tpu.dma_semaphore, #tpu.memory_space<semaphore_mem>>)
    %dma_start3A_36 = arith.constant 256 : i32
    %dma_start3A_37 = tpu.memref_slice %arg6[%dma_start3A_36] : memref<512xi32, #tpu.memory_space<vmem>> -> memref<128xi32, #tpu.memory_space<vmem>>
    %dma_start3A_38 = arith.constant 0 : i32
    %dma_start3A_39 = arith.constant 0 : i32
    %dma_start3A_40 = tpu.memref_slice %arg4[%dma_start3A_38, %dma_start3A_39] : memref<5000x128xf32, #tpu.memory_space<hbm>> -> memref<5000x128xf32, #tpu.memory_space<hbm>>
    tpu.enqueue_indirect_dma source(%dma_start3A_40 : memref<5000x128xf32, #tpu.memory_space<hbm>>) target(%arg10 : memref<128x128xf32, #tpu.memory_space<vmem>>) offsets(%dma_start3A_37 : memref<128xi32, #tpu.memory_space<vmem>>) semaphore(%arg13 : memref<!tpu.dma_semaphore, #tpu.memory_space<semaphore_mem>>)
    %add3A_41 = arith.constant 256 : i32
    %add3A_42 = arith.addi %mul3A_2, %add3A_41 : i32
    %dma_start3A_43 = arith.constant 256 : i32
    %dma_start3A_44 = arith.constant 0 : i32
    %dma_start3A_45 = tpu.memref_slice %arg7[%dma_start3A_43, %dma_start3A_44] : memref<512x128xf32, #tpu.memory_space<vmem>> -> memref<128x128xf32, #tpu.memory_space<vmem>>
    %dma_start3A_46 = arith.constant 0 : i32
    %dma_start3A_47 = tpu.memref_slice %arg2[%add3A_42, %dma_start3A_46] : memref<16384x128xf32, #tpu.memory_space<hbm>> -> memref<128x128xf32, #tpu.memory_space<hbm>>
    %dma_start3A_48 = arith.constant 256 : i32
    %dma_start3A_49 = arith.constant 0 : i32
    %dma_start3A_50 = tpu.memref_slice %arg7[%dma_start3A_48, %dma_start3A_49] : memref<512x128xf32, #tpu.memory_space<vmem>> -> memref<128x128xf32, #tpu.memory_space<vmem>>
    %dma_start3A_51 = arith.constant 0 : i32
    %dma_start3A_52 = tpu.memref_slice %arg2[%add3A_42, %dma_start3A_51] : memref<16384x128xf32, #tpu.memory_space<hbm>> -> memref<128x128xf32, #tpu.memory_space<hbm>>
    tpu.enqueue_dma source(%dma_start3A_52 : memref<128x128xf32, #tpu.memory_space<hbm>>) target(%dma_start3A_50 : memref<128x128xf32, #tpu.memory_space<vmem>>) target_semaphore(%arg16 : memref<!tpu.dma_semaphore, #tpu.memory_space<semaphore_mem>>)
    %add3A_53 = arith.constant 384 : i32
    %add3A_54 = arith.addi %mul3A_2, %add3A_53 : i32
    %dma_start3A_55 = arith.constant 384 : i32
    %dma_start3A_56 = arith.constant 0 : i32
    %dma_start3A_57 = tpu.memref_slice %arg7[%dma_start3A_55, %dma_start3A_56] : memref<512x128xf32, #tpu.memory_space<vmem>> -> memref<128x128xf32, #tpu.memory_space<vmem>>
    %dma_start3A_58 = arith.constant 0 : i32
    %dma_start3A_59 = tpu.memref_slice %arg2[%add3A_54, %dma_start3A_58] : memref<16384x128xf32, #tpu.memory_space<hbm>> -> memref<128x128xf32, #tpu.memory_space<hbm>>
    %dma_start3A_60 = arith.constant 384 : i32
    %dma_start3A_61 = arith.constant 0 : i32
    %dma_start3A_62 = tpu.memref_slice %arg7[%dma_start3A_60, %dma_start3A_61] : memref<512x128xf32, #tpu.memory_space<vmem>> -> memref<128x128xf32, #tpu.memory_space<vmem>>
    %dma_start3A_63 = arith.constant 0 : i32
    %dma_start3A_64 = tpu.memref_slice %arg2[%add3A_54, %dma_start3A_63] : memref<16384x128xf32, #tpu.memory_space<hbm>> -> memref<128x128xf32, #tpu.memory_space<hbm>>
    tpu.enqueue_dma source(%dma_start3A_64 : memref<128x128xf32, #tpu.memory_space<hbm>>) target(%dma_start3A_62 : memref<128x128xf32, #tpu.memory_space<vmem>>) target_semaphore(%arg17 : memref<!tpu.dma_semaphore, #tpu.memory_space<semaphore_mem>>)
    %dma_wait3A = arith.constant 0 : i32
    %dma_wait3A_65 = tpu.memref_slice %arg6[%dma_wait3A] : memref<512xi32, #tpu.memory_space<vmem>> -> memref<128xi32, #tpu.memory_space<vmem>>
    %dma_wait3A_66 = arith.constant 0 : i32
    %dma_wait3A_67 = arith.constant 0 : i32
    %dma_wait3A_68 = tpu.memref_slice %arg4[%dma_wait3A_66, %dma_wait3A_67] : memref<5000x128xf32, #tpu.memory_space<hbm>> -> memref<5000x128xf32, #tpu.memory_space<hbm>>
    tpu.wait_indirect_dma semaphore(%arg11 : memref<!tpu.dma_semaphore, #tpu.memory_space<semaphore_mem>>) src(%dma_wait3A_68 : memref<5000x128xf32, #tpu.memory_space<hbm>>) dst(%arg8 : memref<128x128xf32, #tpu.memory_space<vmem>>)
    %dma_wait3A_69 = arith.constant 0 : i32
    %dma_wait3A_70 = arith.constant 0 : i32
    %dma_wait3A_71 = tpu.memref_slice %arg7[%dma_wait3A_69, %dma_wait3A_70] : memref<512x128xf32, #tpu.memory_space<vmem>> -> memref<128x128xf32, #tpu.memory_space<vmem>>
    %dma_wait3A_72 = arith.constant 0 : i32
    %dma_wait3A_73 = tpu.memref_slice %arg2[%add3A_8, %dma_wait3A_72] : memref<16384x128xf32, #tpu.memory_space<hbm>> -> memref<128x128xf32, #tpu.memory_space<hbm>>
    %dma_wait3A_74 = arith.constant 0 : i32
    %dma_wait3A_75 = arith.constant 0 : i32
    %dma_wait3A_76 = tpu.memref_slice %arg7[%dma_wait3A_74, %dma_wait3A_75] : memref<512x128xf32, #tpu.memory_space<vmem>> -> memref<128x128xf32, #tpu.memory_space<vmem>>
    %dma_wait3A_77 = arith.constant 0 : i32
    %dma_wait3A_78 = tpu.memref_slice %arg2[%add3A_8, %dma_wait3A_77] : memref<16384x128xf32, #tpu.memory_space<hbm>> -> memref<128x128xf32, #tpu.memory_space<hbm>>
    tpu.wait_dma2 semaphore(%arg14 : memref<!tpu.dma_semaphore, #tpu.memory_space<semaphore_mem>>) src(%dma_wait3A_78 : memref<128x128xf32, #tpu.memory_space<hbm>>) dst(%dma_wait3A_76 : memref<128x128xf32, #tpu.memory_space<vmem>>)
    %parallel_loop3A = arith.constant 0 : i32
    %parallel_loop3A_79 = arith.constant 128 : i32
    %parallel_loop3A_80 = arith.constant 1 : i32
    scf.for %parallel_loop3A_228 = %parallel_loop3A to %parallel_loop3A_79 step %parallel_loop3A_80  : i32 {
      %parallel_loop3A_229 = arith.constant 0 : i32
      %parallel_loop3A_230 = arith.addi %parallel_loop3A_229, %parallel_loop3A_228 : i32
      %parallel_loop3A_231 = arith.index_cast %parallel_loop3A_228 : i32 to index
      %parallel_loop3A_232 = arith.constant 0 : index
      %parallel_loop3A_233 = tpu.vector_load %arg8[%parallel_loop3A_231, %parallel_loop3A_232] {strides = array<i32>} : memref<128x128xf32, #tpu.memory_space<vmem>>, vector<1x16xf32>,
      %parallel_loop3A_234 = vector.shape_cast %parallel_loop3A_233 : vector<1x16xf32> to vector<16xf32>
      %parallel_loop3A_235 = arith.index_cast %parallel_loop3A_230 : i32 to index
      %parallel_loop3A_236 = arith.constant 0 : index
      %parallel_loop3A_237 = tpu.vector_load %arg7[%parallel_loop3A_235, %parallel_loop3A_236] {strides = array<i32>} : memref<512x128xf32, #tpu.memory_space<vmem>>, vector<1x16xf32>,
      %parallel_loop3A_238 = vector.shape_cast %parallel_loop3A_237 : vector<1x16xf32> to vector<16xf32>
      %parallel_loop3A_239 = vector.shape_cast %parallel_loop3A_234 : vector<16xf32> to vector<1x16xf32>
      tpu.vector_store %arg7[%parallel_loop3A_235, %parallel_loop3A_236], %parallel_loop3A_239 {add = true, strides = array<i32>} : memref<512x128xf32, #tpu.memory_space<vmem>>, vector<1x16xf32>,
      %parallel_loop3A_240 = arith.index_cast %parallel_loop3A_228 : i32 to index
      %parallel_loop3A_241 = arith.constant 16 : index
      %parallel_loop3A_242 = tpu.vector_load %arg8[%parallel_loop3A_240, %parallel_loop3A_241] {strides = array<i32>} : memref<128x128xf32, #tpu.memory_space<vmem>>, vector<1x16xf32>,
      %parallel_loop3A_243 = vector.shape_cast %parallel_loop3A_242 : vector<1x16xf32> to vector<16xf32>
      %parallel_loop3A_244 = arith.index_cast %parallel_loop3A_230 : i32 to index
      %parallel_loop3A_245 = arith.constant 16 : index
      %parallel_loop3A_246 = tpu.vector_load %arg7[%parallel_loop3A_244, %parallel_loop3A_245] {strides = array<i32>} : memref<512x128xf32, #tpu.memory_space<vmem>>, vector<1x16xf32>,
      %parallel_loop3A_247 = vector.shape_cast %parallel_loop3A_246 : vector<1x16xf32> to vector<16xf32>
      %parallel_loop3A_248 = vector.shape_cast %parallel_loop3A_243 : vector<16xf32> to vector<1x16xf32>
      tpu.vector_store %arg7[%parallel_loop3A_244, %parallel_loop3A_245], %parallel_loop3A_248 {add = true, strides = array<i32>} : memref<512x128xf32, #tpu.memory_space<vmem>>, vector<1x16xf32>,
      %parallel_loop3A_249 = arith.index_cast %parallel_loop3A_228 : i32 to index
      %parallel_loop3A_250 = arith.constant 32 : index
      %parallel_loop3A_251 = tpu.vector_load %arg8[%parallel_loop3A_249, %parallel_loop3A_250] {strides = array<i32>} : memref<128x128xf32, #tpu.memory_space<vmem>>, vector<1x16xf32>,
      %parallel_loop3A_252 = vector.shape_cast %parallel_loop3A_251 : vector<1x16xf32> to vector<16xf32>
      %parallel_loop3A_253 = arith.index_cast %parallel_loop3A_230 : i32 to index
      %parallel_loop3A_254 = arith.constant 32 : index
      %parallel_loop3A_255 = tpu.vector_load %arg7[%parallel_loop3A_253, %parallel_loop3A_254] {strides = array<i32>} : memref<512x128xf32, #tpu.memory_space<vmem>>, vector<1x16xf32>,
      %parallel_loop3A_256 = vector.shape_cast %parallel_loop3A_255 : vector<1x16xf32> to vector<16xf32>
      %parallel_loop3A_257 = vector.shape_cast %parallel_loop3A_252 : vector<16xf32> to vector<1x16xf32>
      tpu.vector_store %arg7[%parallel_loop3A_253, %parallel_loop3A_254], %parallel_loop3A_257 {add = true, strides = array<i32>} : memref<512x128xf32, #tpu.memory_space<vmem>>, vector<1x16xf32>,
      %parallel_loop3A_258 = arith.index_cast %parallel_loop3A_228 : i32 to index
      %parallel_loop3A_259 = arith.constant 48 : index
      %parallel_loop3A_260 = tpu.vector_load %arg8[%parallel_loop3A_258, %parallel_loop3A_259] {strides = array<i32>} : memref<128x128xf32, #tpu.memory_space<vmem>>, vector<1x16xf32>,
      %parallel_loop3A_261 = vector.shape_cast %parallel_loop3A_260 : vector<1x16xf32> to vector<16xf32>
      %parallel_loop3A_262 = arith.index_cast %parallel_loop3A_230 : i32 to index
      %parallel_loop3A_263 = arith.constant 48 : index
      %parallel_loop3A_264 = tpu.vector_load %arg7[%parallel_loop3A_262, %parallel_loop3A_263] {strides = array<i32>} : memref<512x128xf32, #tpu.memory_space<vmem>>, vector<1x16xf32>,
      %parallel_loop3A_265 = vector.shape_cast %parallel_loop3A_264 : vector<1x16xf32> to vector<16xf32>
      %parallel_loop3A_266 = vector.shape_cast %parallel_loop3A_261 : vector<16xf32> to vector<1x16xf32>
      tpu.vector_store %arg7[%parallel_loop3A_262, %parallel_loop3A_263], %parallel_loop3A_266 {add = true, strides = array<i32>} : memref<512x128xf32, #tpu.memory_space<vmem>>, vector<1x16xf32>,
      %parallel_loop3A_267 = arith.index_cast %parallel_loop3A_228 : i32 to index
      %parallel_loop3A_268 = arith.constant 64 : index
      %parallel_loop3A_269 = tpu.vector_load %arg8[%parallel_loop3A_267, %parallel_loop3A_268] {strides = array<i32>} : memref<128x128xf32, #tpu.memory_space<vmem>>, vector<1x16xf32>,
      %parallel_loop3A_270 = vector.shape_cast %parallel_loop3A_269 : vector<1x16xf32> to vector<16xf32>
      %parallel_loop3A_271 = arith.index_cast %parallel_loop3A_230 : i32 to index
      %parallel_loop3A_272 = arith.constant 64 : index
      %parallel_loop3A_273 = tpu.vector_load %arg7[%parallel_loop3A_271, %parallel_loop3A_272] {strides = array<i32>} : memref<512x128xf32, #tpu.memory_space<vmem>>, vector<1x16xf32>,
      %parallel_loop3A_274 = vector.shape_cast %parallel_loop3A_273 : vector<1x16xf32> to vector<16xf32>
      %parallel_loop3A_275 = vector.shape_cast %parallel_loop3A_270 : vector<16xf32> to vector<1x16xf32>
      tpu.vector_store %arg7[%parallel_loop3A_271, %parallel_loop3A_272], %parallel_loop3A_275 {add = true, strides = array<i32>} : memref<512x128xf32, #tpu.memory_space<vmem>>, vector<1x16xf32>,
      %parallel_loop3A_276 = arith.index_cast %parallel_loop3A_228 : i32 to index
      %parallel_loop3A_277 = arith.constant 80 : index
      %parallel_loop3A_278 = tpu.vector_load %arg8[%parallel_loop3A_276, %parallel_loop3A_277] {strides = array<i32>} : memref<128x128xf32, #tpu.memory_space<vmem>>, vector<1x16xf32>,
      %parallel_loop3A_279 = vector.shape_cast %parallel_loop3A_278 : vector<1x16xf32> to vector<16xf32>
      %parallel_loop3A_280 = arith.index_cast %parallel_loop3A_230 : i32 to index
      %parallel_loop3A_281 = arith.constant 80 : index
      %parallel_loop3A_282 = tpu.vector_load %arg7[%parallel_loop3A_280, %parallel_loop3A_281] {strides = array<i32>} : memref<512x128xf32, #tpu.memory_space<vmem>>, vector<1x16xf32>,
      %parallel_loop3A_283 = vector.shape_cast %parallel_loop3A_282 : vector<1x16xf32> to vector<16xf32>
      %parallel_loop3A_284 = vector.shape_cast %parallel_loop3A_279 : vector<16xf32> to vector<1x16xf32>
      tpu.vector_store %arg7[%parallel_loop3A_280, %parallel_loop3A_281], %parallel_loop3A_284 {add = true, strides = array<i32>} : memref<512x128xf32, #tpu.memory_space<vmem>>, vector<1x16xf32>,
      %parallel_loop3A_285 = arith.index_cast %parallel_loop3A_228 : i32 to index
      %parallel_loop3A_286 = arith.constant 96 : index
      %parallel_loop3A_287 = tpu.vector_load %arg8[%parallel_loop3A_285, %parallel_loop3A_286] {strides = array<i32>} : memref<128x128xf32, #tpu.memory_space<vmem>>, vector<1x16xf32>,
      %parallel_loop3A_288 = vector.shape_cast %parallel_loop3A_287 : vector<1x16xf32> to vector<16xf32>
      %parallel_loop3A_289 = arith.index_cast %parallel_loop3A_230 : i32 to index
      %parallel_loop3A_290 = arith.constant 96 : index
      %parallel_loop3A_291 = tpu.vector_load %arg7[%parallel_loop3A_289, %parallel_loop3A_290] {strides = array<i32>} : memref<512x128xf32, #tpu.memory_space<vmem>>, vector<1x16xf32>,
      %parallel_loop3A_292 = vector.shape_cast %parallel_loop3A_291 : vector<1x16xf32> to vector<16xf32>
      %parallel_loop3A_293 = vector.shape_cast %parallel_loop3A_288 : vector<16xf32> to vector<1x16xf32>
      tpu.vector_store %arg7[%parallel_loop3A_289, %parallel_loop3A_290], %parallel_loop3A_293 {add = true, strides = array<i32>} : memref<512x128xf32, #tpu.memory_space<vmem>>, vector<1x16xf32>,
      %parallel_loop3A_294 = arith.index_cast %parallel_loop3A_228 : i32 to index
      %parallel_loop3A_295 = arith.constant 112 : index
      %parallel_loop3A_296 = tpu.vector_load %arg8[%parallel_loop3A_294, %parallel_loop3A_295] {strides = array<i32>} : memref<128x128xf32, #tpu.memory_space<vmem>>, vector<1x16xf32>,
      %parallel_loop3A_297 = vector.shape_cast %parallel_loop3A_296 : vector<1x16xf32> to vector<16xf32>
      %parallel_loop3A_298 = arith.index_cast %parallel_loop3A_230 : i32 to index
      %parallel_loop3A_299 = arith.constant 112 : index
      %parallel_loop3A_300 = tpu.vector_load %arg7[%parallel_loop3A_298, %parallel_loop3A_299] {strides = array<i32>} : memref<512x128xf32, #tpu.memory_space<vmem>>, vector<1x16xf32>,
      %parallel_loop3A_301 = vector.shape_cast %parallel_loop3A_300 : vector<1x16xf32> to vector<16xf32>
      %parallel_loop3A_302 = vector.shape_cast %parallel_loop3A_297 : vector<16xf32> to vector<1x16xf32>
      tpu.vector_store %arg7[%parallel_loop3A_298, %parallel_loop3A_299], %parallel_loop3A_302 {add = true, strides = array<i32>} : memref<512x128xf32, #tpu.memory_space<vmem>>, vector<1x16xf32>,
    } {sc.loop_unroll_factor = 2 : i64, sc.parallel_access}
    %dma_start3A_81 = arith.constant 384 : i32
    %dma_start3A_82 = tpu.memref_slice %arg6[%dma_start3A_81] : memref<512xi32, #tpu.memory_space<vmem>> -> memref<128xi32, #tpu.memory_space<vmem>>
    %dma_start3A_83 = arith.constant 0 : i32
    %dma_start3A_84 = arith.constant 0 : i32
    %dma_start3A_85 = tpu.memref_slice %arg4[%dma_start3A_83, %dma_start3A_84] : memref<5000x128xf32, #tpu.memory_space<hbm>> -> memref<5000x128xf32, #tpu.memory_space<hbm>>
    tpu.enqueue_indirect_dma source(%dma_start3A_85 : memref<5000x128xf32, #tpu.memory_space<hbm>>) target(%arg8 : memref<128x128xf32, #tpu.memory_space<vmem>>) offsets(%dma_start3A_82 : memref<128xi32, #tpu.memory_space<vmem>>) semaphore(%arg11 : memref<!tpu.dma_semaphore, #tpu.memory_space<semaphore_mem>>)
    %add3A_86 = arith.constant 0 : i32
    %add3A_87 = arith.addi %mul3A_2, %add3A_86 : i32
    %dma_start3A_88 = arith.constant 0 : i32
    %dma_start3A_89 = arith.constant 0 : i32
    %dma_start3A_90 = tpu.memref_slice %arg7[%dma_start3A_88, %dma_start3A_89] : memref<512x128xf32, #tpu.memory_space<vmem>> -> memref<128x128xf32, #tpu.memory_space<vmem>>
    %dma_start3A_91 = arith.constant 0 : i32
    %dma_start3A_92 = tpu.memref_slice %arg5[%add3A_87, %dma_start3A_91] : memref<16384x128xf32, #tpu.memory_space<hbm>> -> memref<128x128xf32, #tpu.memory_space<hbm>>
    %dma_start3A_93 = arith.constant 0 : i32
    %dma_start3A_94 = tpu.memref_slice %arg5[%add3A_87, %dma_start3A_93] : memref<16384x128xf32, #tpu.memory_space<hbm>> -> memref<128x128xf32, #tpu.memory_space<hbm>>
    %dma_start3A_95 = arith.constant 0 : i32
    %dma_start3A_96 = arith.constant 0 : i32
    %dma_start3A_97 = tpu.memref_slice %arg7[%dma_start3A_95, %dma_start3A_96] : memref<512x128xf32, #tpu.memory_space<vmem>> -> memref<128x128xf32, #tpu.memory_space<vmem>>
    tpu.enqueue_dma source(%dma_start3A_97 : memref<128x128xf32, #tpu.memory_space<vmem>>) target(%dma_start3A_94 : memref<128x128xf32, #tpu.memory_space<hbm>>) target_semaphore(%arg18 : memref<!tpu.dma_semaphore, #tpu.memory_space<semaphore_mem>>)
    %dma_wait3A_98 = arith.constant 128 : i32
    %dma_wait3A_99 = tpu.memref_slice %arg6[%dma_wait3A_98] : memref<512xi32, #tpu.memory_space<vmem>> -> memref<128xi32, #tpu.memory_space<vmem>>
    %dma_wait3A_100 = arith.constant 0 : i32
    %dma_wait3A_101 = arith.constant 0 : i32
    %dma_wait3A_102 = tpu.memref_slice %arg4[%dma_wait3A_100, %dma_wait3A_101] : memref<5000x128xf32, #tpu.memory_space<hbm>> -> memref<5000x128xf32, #tpu.memory_space<hbm>>
    tpu.wait_indirect_dma semaphore(%arg12 : memref<!tpu.dma_semaphore, #tpu.memory_space<semaphore_mem>>) src(%dma_wait3A_102 : memref<5000x128xf32, #tpu.memory_space<hbm>>) dst(%arg9 : memref<128x128xf32, #tpu.memory_space<vmem>>)
    %dma_wait3A_103 = arith.constant 128 : i32
    %dma_wait3A_104 = arith.constant 0 : i32
    %dma_wait3A_105 = tpu.memref_slice %arg7[%dma_wait3A_103, %dma_wait3A_104] : memref<512x128xf32, #tpu.memory_space<vmem>> -> memref<128x128xf32, #tpu.memory_space<vmem>>
    %dma_wait3A_106 = arith.constant 0 : i32
    %dma_wait3A_107 = tpu.memref_slice %arg2[%add3A_25, %dma_wait3A_106] : memref<16384x128xf32, #tpu.memory_space<hbm>> -> memref<128x128xf32, #tpu.memory_space<hbm>>
    %dma_wait3A_108 = arith.constant 128 : i32
    %dma_wait3A_109 = arith.constant 0 : i32
    %dma_wait3A_110 = tpu.memref_slice %arg7[%dma_wait3A_108, %dma_wait3A_109] : memref<512x128xf32, #tpu.memory_space<vmem>> -> memref<128x128xf32, #tpu.memory_space<vmem>>
    %dma_wait3A_111 = arith.constant 0 : i32
    %dma_wait3A_112 = tpu.memref_slice %arg2[%add3A_25, %dma_wait3A_111] : memref<16384x128xf32, #tpu.memory_space<hbm>> -> memref<128x128xf32, #tpu.memory_space<hbm>>
    tpu.wait_dma2 semaphore(%arg15 : memref<!tpu.dma_semaphore, #tpu.memory_space<semaphore_mem>>) src(%dma_wait3A_112 : memref<128x128xf32, #tpu.memory_space<hbm>>) dst(%dma_wait3A_110 : memref<128x128xf32, #tpu.memory_space<vmem>>)
    %parallel_loop3A_113 = arith.constant 0 : i32
    %parallel_loop3A_114 = arith.constant 128 : i32
    %parallel_loop3A_115 = arith.constant 1 : i32
    scf.for %parallel_loop3A_228 = %parallel_loop3A_113 to %parallel_loop3A_114 step %parallel_loop3A_115  : i32 {
      %parallel_loop3A_229 = arith.constant 128 : i32
      %parallel_loop3A_230 = arith.addi %parallel_loop3A_229, %parallel_loop3A_228 : i32
      %parallel_loop3A_231 = arith.index_cast %parallel_loop3A_228 : i32 to index
      %parallel_loop3A_232 = arith.constant 0 : index
      %parallel_loop3A_233 = tpu.vector_load %arg9[%parallel_loop3A_231, %parallel_loop3A_232] {strides = array<i32>} : memref<128x128xf32, #tpu.memory_space<vmem>>, vector<1x16xf32>,
      %parallel_loop3A_234 = vector.shape_cast %parallel_loop3A_233 : vector<1x16xf32> to vector<16xf32>
      %parallel_loop3A_235 = arith.index_cast %parallel_loop3A_230 : i32 to index
      %parallel_loop3A_236 = arith.constant 0 : index
      %parallel_loop3A_237 = tpu.vector_load %arg7[%parallel_loop3A_235, %parallel_loop3A_236] {strides = array<i32>} : memref<512x128xf32, #tpu.memory_space<vmem>>, vector<1x16xf32>,
      %parallel_loop3A_238 = vector.shape_cast %parallel_loop3A_237 : vector<1x16xf32> to vector<16xf32>
      %parallel_loop3A_239 = vector.shape_cast %parallel_loop3A_234 : vector<16xf32> to vector<1x16xf32>
      tpu.vector_store %arg7[%parallel_loop3A_235, %parallel_loop3A_236], %parallel_loop3A_239 {add = true, strides = array<i32>} : memref<512x128xf32, #tpu.memory_space<vmem>>, vector<1x16xf32>,
      %parallel_loop3A_240 = arith.index_cast %parallel_loop3A_228 : i32 to index
      %parallel_loop3A_241 = arith.constant 16 : index
      %parallel_loop3A_242 = tpu.vector_load %arg9[%parallel_loop3A_240, %parallel_loop3A_241] {strides = array<i32>} : memref<128x128xf32, #tpu.memory_space<vmem>>, vector<1x16xf32>,
      %parallel_loop3A_243 = vector.shape_cast %parallel_loop3A_242 : vector<1x16xf32> to vector<16xf32>
      %parallel_loop3A_244 = arith.index_cast %parallel_loop3A_230 : i32 to index
      %parallel_loop3A_245 = arith.constant 16 : index
      %parallel_loop3A_246 = tpu.vector_load %arg7[%parallel_loop3A_244, %parallel_loop3A_245] {strides = array<i32>} : memref<512x128xf32, #tpu.memory_space<vmem>>, vector<1x16xf32>,
      %parallel_loop3A_247 = vector.shape_cast %parallel_loop3A_246 : vector<1x16xf32> to vector<16xf32>
      %parallel_loop3A_248 = vector.shape_cast %parallel_loop3A_243 : vector<16xf32> to vector<1x16xf32>
      tpu.vector_store %arg7[%parallel_loop3A_244, %parallel_loop3A_245], %parallel_loop3A_248 {add = true, strides = array<i32>} : memref<512x128xf32, #tpu.memory_space<vmem>>, vector<1x16xf32>,
      %parallel_loop3A_249 = arith.index_cast %parallel_loop3A_228 : i32 to index
      %parallel_loop3A_250 = arith.constant 32 : index
      %parallel_loop3A_251 = tpu.vector_load %arg9[%parallel_loop3A_249, %parallel_loop3A_250] {strides = array<i32>} : memref<128x128xf32, #tpu.memory_space<vmem>>, vector<1x16xf32>,
      %parallel_loop3A_252 = vector.shape_cast %parallel_loop3A_251 : vector<1x16xf32> to vector<16xf32>
      %parallel_loop3A_253 = arith.index_cast %parallel_loop3A_230 : i32 to index
      %parallel_loop3A_254 = arith.constant 32 : index
      %parallel_loop3A_255 = tpu.vector_load %arg7[%parallel_loop3A_253, %parallel_loop3A_254] {strides = array<i32>} : memref<512x128xf32, #tpu.memory_space<vmem>>, vector<1x16xf32>,
      %parallel_loop3A_256 = vector.shape_cast %parallel_loop3A_255 : vector<1x16xf32> to vector<16xf32>
      %parallel_loop3A_257 = vector.shape_cast %parallel_loop3A_252 : vector<16xf32> to vector<1x16xf32>
      tpu.vector_store %arg7[%parallel_loop3A_253, %parallel_loop3A_254], %parallel_loop3A_257 {add = true, strides = array<i32>} : memref<512x128xf32, #tpu.memory_space<vmem>>, vector<1x16xf32>,
      %parallel_loop3A_258 = arith.index_cast %parallel_loop3A_228 : i32 to index
      %parallel_loop3A_259 = arith.constant 48 : index
      %parallel_loop3A_260 = tpu.vector_load %arg9[%parallel_loop3A_258, %parallel_loop3A_259] {strides = array<i32>} : memref<128x128xf32, #tpu.memory_space<vmem>>, vector<1x16xf32>,
      %parallel_loop3A_261 = vector.shape_cast %parallel_loop3A_260 : vector<1x16xf32> to vector<16xf32>
      %parallel_loop3A_262 = arith.index_cast %parallel_loop3A_230 : i32 to index
      %parallel_loop3A_263 = arith.constant 48 : index
      %parallel_loop3A_264 = tpu.vector_load %arg7[%parallel_loop3A_262, %parallel_loop3A_263] {strides = array<i32>} : memref<512x128xf32, #tpu.memory_space<vmem>>, vector<1x16xf32>,
      %parallel_loop3A_265 = vector.shape_cast %parallel_loop3A_264 : vector<1x16xf32> to vector<16xf32>
      %parallel_loop3A_266 = vector.shape_cast %parallel_loop3A_261 : vector<16xf32> to vector<1x16xf32>
      tpu.vector_store %arg7[%parallel_loop3A_262, %parallel_loop3A_263], %parallel_loop3A_266 {add = true, strides = array<i32>} : memref<512x128xf32, #tpu.memory_space<vmem>>, vector<1x16xf32>,
      %parallel_loop3A_267 = arith.index_cast %parallel_loop3A_228 : i32 to index
      %parallel_loop3A_268 = arith.constant 64 : index
      %parallel_loop3A_269 = tpu.vector_load %arg9[%parallel_loop3A_267, %parallel_loop3A_268] {strides = array<i32>} : memref<128x128xf32, #tpu.memory_space<vmem>>, vector<1x16xf32>,
      %parallel_loop3A_270 = vector.shape_cast %parallel_loop3A_269 : vector<1x16xf32> to vector<16xf32>
      %parallel_loop3A_271 = arith.index_cast %parallel_loop3A_230 : i32 to index
      %parallel_loop3A_272 = arith.constant 64 : index
      %parallel_loop3A_273 = tpu.vector_load %arg7[%parallel_loop3A_271, %parallel_loop3A_272] {strides = array<i32>} : memref<512x128xf32, #tpu.memory_space<vmem>>, vector<1x16xf32>,
      %parallel_loop3A_274 = vector.shape_cast %parallel_loop3A_273 : vector<1x16xf32> to vector<16xf32>
      %parallel_loop3A_275 = vector.shape_cast %parallel_loop3A_270 : vector<16xf32> to vector<1x16xf32>
      tpu.vector_store %arg7[%parallel_loop3A_271, %parallel_loop3A_272], %parallel_loop3A_275 {add = true, strides = array<i32>} : memref<512x128xf32, #tpu.memory_space<vmem>>, vector<1x16xf32>,
      %parallel_loop3A_276 = arith.index_cast %parallel_loop3A_228 : i32 to index
      %parallel_loop3A_277 = arith.constant 80 : index
      %parallel_loop3A_278 = tpu.vector_load %arg9[%parallel_loop3A_276, %parallel_loop3A_277] {strides = array<i32>} : memref<128x128xf32, #tpu.memory_space<vmem>>, vector<1x16xf32>,
      %parallel_loop3A_279 = vector.shape_cast %parallel_loop3A_278 : vector<1x16xf32> to vector<16xf32>
      %parallel_loop3A_280 = arith.index_cast %parallel_loop3A_230 : i32 to index
      %parallel_loop3A_281 = arith.constant 80 : index
      %parallel_loop3A_282 = tpu.vector_load %arg7[%parallel_loop3A_280, %parallel_loop3A_281] {strides = array<i32>} : memref<512x128xf32, #tpu.memory_space<vmem>>, vector<1x16xf32>,
      %parallel_loop3A_283 = vector.shape_cast %parallel_loop3A_282 : vector<1x16xf32> to vector<16xf32>
      %parallel_loop3A_284 = vector.shape_cast %parallel_loop3A_279 : vector<16xf32> to vector<1x16xf32>
      tpu.vector_store %arg7[%parallel_loop3A_280, %parallel_loop3A_281], %parallel_loop3A_284 {add = true, strides = array<i32>} : memref<512x128xf32, #tpu.memory_space<vmem>>, vector<1x16xf32>,
      %parallel_loop3A_285 = arith.index_cast %parallel_loop3A_228 : i32 to index
      %parallel_loop3A_286 = arith.constant 96 : index
      %parallel_loop3A_287 = tpu.vector_load %arg9[%parallel_loop3A_285, %parallel_loop3A_286] {strides = array<i32>} : memref<128x128xf32, #tpu.memory_space<vmem>>, vector<1x16xf32>,
      %parallel_loop3A_288 = vector.shape_cast %parallel_loop3A_287 : vector<1x16xf32> to vector<16xf32>
      %parallel_loop3A_289 = arith.index_cast %parallel_loop3A_230 : i32 to index
      %parallel_loop3A_290 = arith.constant 96 : index
      %parallel_loop3A_291 = tpu.vector_load %arg7[%parallel_loop3A_289, %parallel_loop3A_290] {strides = array<i32>} : memref<512x128xf32, #tpu.memory_space<vmem>>, vector<1x16xf32>,
      %parallel_loop3A_292 = vector.shape_cast %parallel_loop3A_291 : vector<1x16xf32> to vector<16xf32>
      %parallel_loop3A_293 = vector.shape_cast %parallel_loop3A_288 : vector<16xf32> to vector<1x16xf32>
      tpu.vector_store %arg7[%parallel_loop3A_289, %parallel_loop3A_290], %parallel_loop3A_293 {add = true, strides = array<i32>} : memref<512x128xf32, #tpu.memory_space<vmem>>, vector<1x16xf32>,
      %parallel_loop3A_294 = arith.index_cast %parallel_loop3A_228 : i32 to index
      %parallel_loop3A_295 = arith.constant 112 : index
      %parallel_loop3A_296 = tpu.vector_load %arg9[%parallel_loop3A_294, %parallel_loop3A_295] {strides = array<i32>} : memref<128x128xf32, #tpu.memory_space<vmem>>, vector<1x16xf32>,
      %parallel_loop3A_297 = vector.shape_cast %parallel_loop3A_296 : vector<1x16xf32> to vector<16xf32>
      %parallel_loop3A_298 = arith.index_cast %parallel_loop3A_230 : i32 to index
      %parallel_loop3A_299 = arith.constant 112 : index
      %parallel_loop3A_300 = tpu.vector_load %arg7[%parallel_loop3A_298, %parallel_loop3A_299] {strides = array<i32>} : memref<512x128xf32, #tpu.memory_space<vmem>>, vector<1x16xf32>,
      %parallel_loop3A_301 = vector.shape_cast %parallel_loop3A_300 : vector<1x16xf32> to vector<16xf32>
      %parallel_loop3A_302 = vector.shape_cast %parallel_loop3A_297 : vector<16xf32> to vector<1x16xf32>
      tpu.vector_store %arg7[%parallel_loop3A_298, %parallel_loop3A_299], %parallel_loop3A_302 {add = true, strides = array<i32>} : memref<512x128xf32, #tpu.memory_space<vmem>>, vector<1x16xf32>,
    } {sc.loop_unroll_factor = 2 : i64, sc.parallel_access}
    %add3A_116 = arith.constant 128 : i32
    %add3A_117 = arith.addi %mul3A_2, %add3A_116 : i32
    %dma_start3A_118 = arith.constant 128 : i32
    %dma_start3A_119 = arith.constant 0 : i32
    %dma_start3A_120 = tpu.memref_slice %arg7[%dma_start3A_118, %dma_start3A_119] : memref<512x128xf32, #tpu.memory_space<vmem>> -> memref<128x128xf32, #tpu.memory_space<vmem>>
    %dma_start3A_121 = arith.constant 0 : i32
    %dma_start3A_122 = tpu.memref_slice %arg5[%add3A_117, %dma_start3A_121] : memref<16384x128xf32, #tpu.memory_space<hbm>> -> memref<128x128xf32, #tpu.memory_space<hbm>>
    %dma_start3A_123 = arith.constant 0 : i32
    %dma_start3A_124 = tpu.memref_slice %arg5[%add3A_117, %dma_start3A_123] : memref<16384x128xf32, #tpu.memory_space<hbm>> -> memref<128x128xf32, #tpu.memory_space<hbm>>
    %dma_start3A_125 = arith.constant 128 : i32
    %dma_start3A_126 = arith.constant 0 : i32
    %dma_start3A_127 = tpu.memref_slice %arg7[%dma_start3A_125, %dma_start3A_126] : memref<512x128xf32, #tpu.memory_space<vmem>> -> memref<128x128xf32, #tpu.memory_space<vmem>>
    tpu.enqueue_dma source(%dma_start3A_127 : memref<128x128xf32, #tpu.memory_space<vmem>>) target(%dma_start3A_124 : memref<128x128xf32, #tpu.memory_space<hbm>>) target_semaphore(%arg18 : memref<!tpu.dma_semaphore, #tpu.memory_space<semaphore_mem>>)
    %dma_wait3A_128 = arith.constant 256 : i32
    %dma_wait3A_129 = tpu.memref_slice %arg6[%dma_wait3A_128] : memref<512xi32, #tpu.memory_space<vmem>> -> memref<128xi32, #tpu.memory_space<vmem>>
    %dma_wait3A_130 = arith.constant 0 : i32
    %dma_wait3A_131 = arith.constant 0 : i32
    %dma_wait3A_132 = tpu.memref_slice %arg4[%dma_wait3A_130, %dma_wait3A_131] : memref<5000x128xf32, #tpu.memory_space<hbm>> -> memref<5000x128xf32, #tpu.memory_space<hbm>>
    tpu.wait_indirect_dma semaphore(%arg13 : memref<!tpu.dma_semaphore, #tpu.memory_space<semaphore_mem>>) src(%dma_wait3A_132 : memref<5000x128xf32, #tpu.memory_space<hbm>>) dst(%arg10 : memref<128x128xf32, #tpu.memory_space<vmem>>)
    %dma_wait3A_133 = arith.constant 256 : i32
    %dma_wait3A_134 = arith.constant 0 : i32
    %dma_wait3A_135 = tpu.memref_slice %arg7[%dma_wait3A_133, %dma_wait3A_134] : memref<512x128xf32, #tpu.memory_space<vmem>> -> memref<128x128xf32, #tpu.memory_space<vmem>>
    %dma_wait3A_136 = arith.constant 0 : i32
    %dma_wait3A_137 = tpu.memref_slice %arg2[%add3A_42, %dma_wait3A_136] : memref<16384x128xf32, #tpu.memory_space<hbm>> -> memref<128x128xf32, #tpu.memory_space<hbm>>
    %dma_wait3A_138 = arith.constant 256 : i32
    %dma_wait3A_139 = arith.constant 0 : i32
    %dma_wait3A_140 = tpu.memref_slice %arg7[%dma_wait3A_138, %dma_wait3A_139] : memref<512x128xf32, #tpu.memory_space<vmem>> -> memref<128x128xf32, #tpu.memory_space<vmem>>
    %dma_wait3A_141 = arith.constant 0 : i32
    %dma_wait3A_142 = tpu.memref_slice %arg2[%add3A_42, %dma_wait3A_141] : memref<16384x128xf32, #tpu.memory_space<hbm>> -> memref<128x128xf32, #tpu.memory_space<hbm>>
    tpu.wait_dma2 semaphore(%arg16 : memref<!tpu.dma_semaphore, #tpu.memory_space<semaphore_mem>>) src(%dma_wait3A_142 : memref<128x128xf32, #tpu.memory_space<hbm>>) dst(%dma_wait3A_140 : memref<128x128xf32, #tpu.memory_space<vmem>>)
    %parallel_loop3A_143 = arith.constant 0 : i32
    %parallel_loop3A_144 = arith.constant 128 : i32
    %parallel_loop3A_145 = arith.constant 1 : i32
    scf.for %parallel_loop3A_228 = %parallel_loop3A_143 to %parallel_loop3A_144 step %parallel_loop3A_145  : i32 {
      %parallel_loop3A_229 = arith.constant 256 : i32
      %parallel_loop3A_230 = arith.addi %parallel_loop3A_229, %parallel_loop3A_228 : i32
      %parallel_loop3A_231 = arith.index_cast %parallel_loop3A_228 : i32 to index
      %parallel_loop3A_232 = arith.constant 0 : index
      %parallel_loop3A_233 = tpu.vector_load %arg10[%parallel_loop3A_231, %parallel_loop3A_232] {strides = array<i32>} : memref<128x128xf32, #tpu.memory_space<vmem>>, vector<1x16xf32>,
      %parallel_loop3A_234 = vector.shape_cast %parallel_loop3A_233 : vector<1x16xf32> to vector<16xf32>
      %parallel_loop3A_235 = arith.index_cast %parallel_loop3A_230 : i32 to index
      %parallel_loop3A_236 = arith.constant 0 : index
      %parallel_loop3A_237 = tpu.vector_load %arg7[%parallel_loop3A_235, %parallel_loop3A_236] {strides = array<i32>} : memref<512x128xf32, #tpu.memory_space<vmem>>, vector<1x16xf32>,
      %parallel_loop3A_238 = vector.shape_cast %parallel_loop3A_237 : vector<1x16xf32> to vector<16xf32>
      %parallel_loop3A_239 = vector.shape_cast %parallel_loop3A_234 : vector<16xf32> to vector<1x16xf32>
      tpu.vector_store %arg7[%parallel_loop3A_235, %parallel_loop3A_236], %parallel_loop3A_239 {add = true, strides = array<i32>} : memref<512x128xf32, #tpu.memory_space<vmem>>, vector<1x16xf32>,
      %parallel_loop3A_240 = arith.index_cast %parallel_loop3A_228 : i32 to index
      %parallel_loop3A_241 = arith.constant 16 : index
      %parallel_loop3A_242 = tpu.vector_load %arg10[%parallel_loop3A_240, %parallel_loop3A_241] {strides = array<i32>} : memref<128x128xf32, #tpu.memory_space<vmem>>, vector<1x16xf32>,
      %parallel_loop3A_243 = vector.shape_cast %parallel_loop3A_242 : vector<1x16xf32> to vector<16xf32>
      %parallel_loop3A_244 = arith.index_cast %parallel_loop3A_230 : i32 to index
      %parallel_loop3A_245 = arith.constant 16 : index
      %parallel_loop3A_246 = tpu.vector_load %arg7[%parallel_loop3A_244, %parallel_loop3A_245] {strides = array<i32>} : memref<512x128xf32, #tpu.memory_space<vmem>>, vector<1x16xf32>,
      %parallel_loop3A_247 = vector.shape_cast %parallel_loop3A_246 : vector<1x16xf32> to vector<16xf32>
      %parallel_loop3A_248 = vector.shape_cast %parallel_loop3A_243 : vector<16xf32> to vector<1x16xf32>
      tpu.vector_store %arg7[%parallel_loop3A_244, %parallel_loop3A_245], %parallel_loop3A_248 {add = true, strides = array<i32>} : memref<512x128xf32, #tpu.memory_space<vmem>>, vector<1x16xf32>,
      %parallel_loop3A_249 = arith.index_cast %parallel_loop3A_228 : i32 to index
      %parallel_loop3A_250 = arith.constant 32 : index
      %parallel_loop3A_251 = tpu.vector_load %arg10[%parallel_loop3A_249, %parallel_loop3A_250] {strides = array<i32>} : memref<128x128xf32, #tpu.memory_space<vmem>>, vector<1x16xf32>,
      %parallel_loop3A_252 = vector.shape_cast %parallel_loop3A_251 : vector<1x16xf32> to vector<16xf32>
      %parallel_loop3A_253 = arith.index_cast %parallel_loop3A_230 : i32 to index
      %parallel_loop3A_254 = arith.constant 32 : index
      %parallel_loop3A_255 = tpu.vector_load %arg7[%parallel_loop3A_253, %parallel_loop3A_254] {strides = array<i32>} : memref<512x128xf32, #tpu.memory_space<vmem>>, vector<1x16xf32>,
      %parallel_loop3A_256 = vector.shape_cast %parallel_loop3A_255 : vector<1x16xf32> to vector<16xf32>
      %parallel_loop3A_257 = vector.shape_cast %parallel_loop3A_252 : vector<16xf32> to vector<1x16xf32>
      tpu.vector_store %arg7[%parallel_loop3A_253, %parallel_loop3A_254], %parallel_loop3A_257 {add = true, strides = array<i32>} : memref<512x128xf32, #tpu.memory_space<vmem>>, vector<1x16xf32>,
      %parallel_loop3A_258 = arith.index_cast %parallel_loop3A_228 : i32 to index
      %parallel_loop3A_259 = arith.constant 48 : index
      %parallel_loop3A_260 = tpu.vector_load %arg10[%parallel_loop3A_258, %parallel_loop3A_259] {strides = array<i32>} : memref<128x128xf32, #tpu.memory_space<vmem>>, vector<1x16xf32>,
      %parallel_loop3A_261 = vector.shape_cast %parallel_loop3A_260 : vector<1x16xf32> to vector<16xf32>
      %parallel_loop3A_262 = arith.index_cast %parallel_loop3A_230 : i32 to index
      %parallel_loop3A_263 = arith.constant 48 : index
      %parallel_loop3A_264 = tpu.vector_load %arg7[%parallel_loop3A_262, %parallel_loop3A_263] {strides = array<i32>} : memref<512x128xf32, #tpu.memory_space<vmem>>, vector<1x16xf32>,
      %parallel_loop3A_265 = vector.shape_cast %parallel_loop3A_264 : vector<1x16xf32> to vector<16xf32>
      %parallel_loop3A_266 = vector.shape_cast %parallel_loop3A_261 : vector<16xf32> to vector<1x16xf32>
      tpu.vector_store %arg7[%parallel_loop3A_262, %parallel_loop3A_263], %parallel_loop3A_266 {add = true, strides = array<i32>} : memref<512x128xf32, #tpu.memory_space<vmem>>, vector<1x16xf32>,
      %parallel_loop3A_267 = arith.index_cast %parallel_loop3A_228 : i32 to index
      %parallel_loop3A_268 = arith.constant 64 : index
      %parallel_loop3A_269 = tpu.vector_load %arg10[%parallel_loop3A_267, %parallel_loop3A_268] {strides = array<i32>} : memref<128x128xf32, #tpu.memory_space<vmem>>, vector<1x16xf32>,
      %parallel_loop3A_270 = vector.shape_cast %parallel_loop3A_269 : vector<1x16xf32> to vector<16xf32>
      %parallel_loop3A_271 = arith.index_cast %parallel_loop3A_230 : i32 to index
      %parallel_loop3A_272 = arith.constant 64 : index
      %parallel_loop3A_273 = tpu.vector_load %arg7[%parallel_loop3A_271, %parallel_loop3A_272] {strides = array<i32>} : memref<512x128xf32, #tpu.memory_space<vmem>>, vector<1x16xf32>,
      %parallel_loop3A_274 = vector.shape_cast %parallel_loop3A_273 : vector<1x16xf32> to vector<16xf32>
      %parallel_loop3A_275 = vector.shape_cast %parallel_loop3A_270 : vector<16xf32> to vector<1x16xf32>
      tpu.vector_store %arg7[%parallel_loop3A_271, %parallel_loop3A_272], %parallel_loop3A_275 {add = true, strides = array<i32>} : memref<512x128xf32, #tpu.memory_space<vmem>>, vector<1x16xf32>,
      %parallel_loop3A_276 = arith.index_cast %parallel_loop3A_228 : i32 to index
      %parallel_loop3A_277 = arith.constant 80 : index
      %parallel_loop3A_278 = tpu.vector_load %arg10[%parallel_loop3A_276, %parallel_loop3A_277] {strides = array<i32>} : memref<128x128xf32, #tpu.memory_space<vmem>>, vector<1x16xf32>,
      %parallel_loop3A_279 = vector.shape_cast %parallel_loop3A_278 : vector<1x16xf32> to vector<16xf32>
      %parallel_loop3A_280 = arith.index_cast %parallel_loop3A_230 : i32 to index
      %parallel_loop3A_281 = arith.constant 80 : index
      %parallel_loop3A_282 = tpu.vector_load %arg7[%parallel_loop3A_280, %parallel_loop3A_281] {strides = array<i32>} : memref<512x128xf32, #tpu.memory_space<vmem>>, vector<1x16xf32>,
      %parallel_loop3A_283 = vector.shape_cast %parallel_loop3A_282 : vector<1x16xf32> to vector<16xf32>
      %parallel_loop3A_284 = vector.shape_cast %parallel_loop3A_279 : vector<16xf32> to vector<1x16xf32>
      tpu.vector_store %arg7[%parallel_loop3A_280, %parallel_loop3A_281], %parallel_loop3A_284 {add = true, strides = array<i32>} : memref<512x128xf32, #tpu.memory_space<vmem>>, vector<1x16xf32>,
      %parallel_loop3A_285 = arith.index_cast %parallel_loop3A_228 : i32 to index
      %parallel_loop3A_286 = arith.constant 96 : index
      %parallel_loop3A_287 = tpu.vector_load %arg10[%parallel_loop3A_285, %parallel_loop3A_286] {strides = array<i32>} : memref<128x128xf32, #tpu.memory_space<vmem>>, vector<1x16xf32>,
      %parallel_loop3A_288 = vector.shape_cast %parallel_loop3A_287 : vector<1x16xf32> to vector<16xf32>
      %parallel_loop3A_289 = arith.index_cast %parallel_loop3A_230 : i32 to index
      %parallel_loop3A_290 = arith.constant 96 : index
      %parallel_loop3A_291 = tpu.vector_load %arg7[%parallel_loop3A_289, %parallel_loop3A_290] {strides = array<i32>} : memref<512x128xf32, #tpu.memory_space<vmem>>, vector<1x16xf32>,
      %parallel_loop3A_292 = vector.shape_cast %parallel_loop3A_291 : vector<1x16xf32> to vector<16xf32>
      %parallel_loop3A_293 = vector.shape_cast %parallel_loop3A_288 : vector<16xf32> to vector<1x16xf32>
      tpu.vector_store %arg7[%parallel_loop3A_289, %parallel_loop3A_290], %parallel_loop3A_293 {add = true, strides = array<i32>} : memref<512x128xf32, #tpu.memory_space<vmem>>, vector<1x16xf32>,
      %parallel_loop3A_294 = arith.index_cast %parallel_loop3A_228 : i32 to index
      %parallel_loop3A_295 = arith.constant 112 : index
      %parallel_loop3A_296 = tpu.vector_load %arg10[%parallel_loop3A_294, %parallel_loop3A_295] {strides = array<i32>} : memref<128x128xf32, #tpu.memory_space<vmem>>, vector<1x16xf32>,
      %parallel_loop3A_297 = vector.shape_cast %parallel_loop3A_296 : vector<1x16xf32> to vector<16xf32>
      %parallel_loop3A_298 = arith.index_cast %parallel_loop3A_230 : i32 to index
      %parallel_loop3A_299 = arith.constant 112 : index
      %parallel_loop3A_300 = tpu.vector_load %arg7[%parallel_loop3A_298, %parallel_loop3A_299] {strides = array<i32>} : memref<512x128xf32, #tpu.memory_space<vmem>>, vector<1x16xf32>,
      %parallel_loop3A_301 = vector.shape_cast %parallel_loop3A_300 : vector<1x16xf32> to vector<16xf32>
      %parallel_loop3A_302 = vector.shape_cast %parallel_loop3A_297 : vector<16xf32> to vector<1x16xf32>
      tpu.vector_store %arg7[%parallel_loop3A_298, %parallel_loop3A_299], %parallel_loop3A_302 {add = true, strides = array<i32>} : memref<512x128xf32, #tpu.memory_space<vmem>>, vector<1x16xf32>,
    } {sc.loop_unroll_factor = 2 : i64, sc.parallel_access}
    %add3A_146 = arith.constant 256 : i32
    %add3A_147 = arith.addi %mul3A_2, %add3A_146 : i32
    %dma_start3A_148 = arith.constant 256 : i32
    %dma_start3A_149 = arith.constant 0 : i32
    %dma_start3A_150 = tpu.memref_slice %arg7[%dma_start3A_148, %dma_start3A_149] : memref<512x128xf32, #tpu.memory_space<vmem>> -> memref<128x128xf32, #tpu.memory_space<vmem>>
    %dma_start3A_151 = arith.constant 0 : i32
    %dma_start3A_152 = tpu.memref_slice %arg5[%add3A_147, %dma_start3A_151] : memref<16384x128xf32, #tpu.memory_space<hbm>> -> memref<128x128xf32, #tpu.memory_space<hbm>>
    %dma_start3A_153 = arith.constant 0 : i32
    %dma_start3A_154 = tpu.memref_slice %arg5[%add3A_147, %dma_start3A_153] : memref<16384x128xf32, #tpu.memory_space<hbm>> -> memref<128x128xf32, #tpu.memory_space<hbm>>
    %dma_start3A_155 = arith.constant 256 : i32
    %dma_start3A_156 = arith.constant 0 : i32
    %dma_start3A_157 = tpu.memref_slice %arg7[%dma_start3A_155, %dma_start3A_156] : memref<512x128xf32, #tpu.memory_space<vmem>> -> memref<128x128xf32, #tpu.memory_space<vmem>>
    tpu.enqueue_dma source(%dma_start3A_157 : memref<128x128xf32, #tpu.memory_space<vmem>>) target(%dma_start3A_154 : memref<128x128xf32, #tpu.memory_space<hbm>>) target_semaphore(%arg18 : memref<!tpu.dma_semaphore, #tpu.memory_space<semaphore_mem>>)
    %dma_wait3A_158 = arith.constant 384 : i32
    %dma_wait3A_159 = tpu.memref_slice %arg6[%dma_wait3A_158] : memref<512xi32, #tpu.memory_space<vmem>> -> memref<128xi32, #tpu.memory_space<vmem>>
    %dma_wait3A_160 = arith.constant 0 : i32
    %dma_wait3A_161 = arith.constant 0 : i32
    %dma_wait3A_162 = tpu.memref_slice %arg4[%dma_wait3A_160, %dma_wait3A_161] : memref<5000x128xf32, #tpu.memory_space<hbm>> -> memref<5000x128xf32, #tpu.memory_space<hbm>>
    tpu.wait_indirect_dma semaphore(%arg11 : memref<!tpu.dma_semaphore, #tpu.memory_space<semaphore_mem>>) src(%dma_wait3A_162 : memref<5000x128xf32, #tpu.memory_space<hbm>>) dst(%arg8 : memref<128x128xf32, #tpu.memory_space<vmem>>)
    %dma_wait3A_163 = arith.constant 384 : i32
    %dma_wait3A_164 = arith.constant 0 : i32
    %dma_wait3A_165 = tpu.memref_slice %arg7[%dma_wait3A_163, %dma_wait3A_164] : memref<512x128xf32, #tpu.memory_space<vmem>> -> memref<128x128xf32, #tpu.memory_space<vmem>>
    %dma_wait3A_166 = arith.constant 0 : i32
    %dma_wait3A_167 = tpu.memref_slice %arg2[%add3A_54, %dma_wait3A_166] : memref<16384x128xf32, #tpu.memory_space<hbm>> -> memref<128x128xf32, #tpu.memory_space<hbm>>
    %dma_wait3A_168 = arith.constant 384 : i32
    %dma_wait3A_169 = arith.constant 0 : i32
    %dma_wait3A_170 = tpu.memref_slice %arg7[%dma_wait3A_168, %dma_wait3A_169] : memref<512x128xf32, #tpu.memory_space<vmem>> -> memref<128x128xf32, #tpu.memory_space<vmem>>
    %dma_wait3A_171 = arith.constant 0 : i32
    %dma_wait3A_172 = tpu.memref_slice %arg2[%add3A_54, %dma_wait3A_171] : memref<16384x128xf32, #tpu.memory_space<hbm>> -> memref<128x128xf32, #tpu.memory_space<hbm>>
    tpu.wait_dma2 semaphore(%arg17 : memref<!tpu.dma_semaphore, #tpu.memory_space<semaphore_mem>>) src(%dma_wait3A_172 : memref<128x128xf32, #tpu.memory_space<hbm>>) dst(%dma_wait3A_170 : memref<128x128xf32, #tpu.memory_space<vmem>>)
    %parallel_loop3A_173 = arith.constant 0 : i32
    %parallel_loop3A_174 = arith.constant 128 : i32
    %parallel_loop3A_175 = arith.constant 1 : i32
    scf.for %parallel_loop3A_228 = %parallel_loop3A_173 to %parallel_loop3A_174 step %parallel_loop3A_175  : i32 {
      %parallel_loop3A_229 = arith.constant 384 : i32
      %parallel_loop3A_230 = arith.addi %parallel_loop3A_229, %parallel_loop3A_228 : i32
      %parallel_loop3A_231 = arith.index_cast %parallel_loop3A_228 : i32 to index
      %parallel_loop3A_232 = arith.constant 0 : index
      %parallel_loop3A_233 = tpu.vector_load %arg8[%parallel_loop3A_231, %parallel_loop3A_232] {strides = array<i32>} : memref<128x128xf32, #tpu.memory_space<vmem>>, vector<1x16xf32>,
      %parallel_loop3A_234 = vector.shape_cast %parallel_loop3A_233 : vector<1x16xf32> to vector<16xf32>
      %parallel_loop3A_235 = arith.index_cast %parallel_loop3A_230 : i32 to index
      %parallel_loop3A_236 = arith.constant 0 : index
      %parallel_loop3A_237 = tpu.vector_load %arg7[%parallel_loop3A_235, %parallel_loop3A_236] {strides = array<i32>} : memref<512x128xf32, #tpu.memory_space<vmem>>, vector<1x16xf32>,
      %parallel_loop3A_238 = vector.shape_cast %parallel_loop3A_237 : vector<1x16xf32> to vector<16xf32>
      %parallel_loop3A_239 = vector.shape_cast %parallel_loop3A_234 : vector<16xf32> to vector<1x16xf32>
      tpu.vector_store %arg7[%parallel_loop3A_235, %parallel_loop3A_236], %parallel_loop3A_239 {add = true, strides = array<i32>} : memref<512x128xf32, #tpu.memory_space<vmem>>, vector<1x16xf32>,
      %parallel_loop3A_240 = arith.index_cast %parallel_loop3A_228 : i32 to index
      %parallel_loop3A_241 = arith.constant 16 : index
      %parallel_loop3A_242 = tpu.vector_load %arg8[%parallel_loop3A_240, %parallel_loop3A_241] {strides = array<i32>} : memref<128x128xf32, #tpu.memory_space<vmem>>, vector<1x16xf32>,
      %parallel_loop3A_243 = vector.shape_cast %parallel_loop3A_242 : vector<1x16xf32> to vector<16xf32>
      %parallel_loop3A_244 = arith.index_cast %parallel_loop3A_230 : i32 to index
      %parallel_loop3A_245 = arith.constant 16 : index
      %parallel_loop3A_246 = tpu.vector_load %arg7[%parallel_loop3A_244, %parallel_loop3A_245] {strides = array<i32>} : memref<512x128xf32, #tpu.memory_space<vmem>>, vector<1x16xf32>,
      %parallel_loop3A_247 = vector.shape_cast %parallel_loop3A_246 : vector<1x16xf32> to vector<16xf32>
      %parallel_loop3A_248 = vector.shape_cast %parallel_loop3A_243 : vector<16xf32> to vector<1x16xf32>
      tpu.vector_store %arg7[%parallel_loop3A_244, %parallel_loop3A_245], %parallel_loop3A_248 {add = true, strides = array<i32>} : memref<512x128xf32, #tpu.memory_space<vmem>>, vector<1x16xf32>,
      %parallel_loop3A_249 = arith.index_cast %parallel_loop3A_228 : i32 to index
      %parallel_loop3A_250 = arith.constant 32 : index
      %parallel_loop3A_251 = tpu.vector_load %arg8[%parallel_loop3A_249, %parallel_loop3A_250] {strides = array<i32>} : memref<128x128xf32, #tpu.memory_space<vmem>>, vector<1x16xf32>,
      %parallel_loop3A_252 = vector.shape_cast %parallel_loop3A_251 : vector<1x16xf32> to vector<16xf32>
      %parallel_loop3A_253 = arith.index_cast %parallel_loop3A_230 : i32 to index
      %parallel_loop3A_254 = arith.constant 32 : index
      %parallel_loop3A_255 = tpu.vector_load %arg7[%parallel_loop3A_253, %parallel_loop3A_254] {strides = array<i32>} : memref<512x128xf32, #tpu.memory_space<vmem>>, vector<1x16xf32>,
      %parallel_loop3A_256 = vector.shape_cast %parallel_loop3A_255 : vector<1x16xf32> to vector<16xf32>
      %parallel_loop3A_257 = vector.shape_cast %parallel_loop3A_252 : vector<16xf32> to vector<1x16xf32>
      tpu.vector_store %arg7[%parallel_loop3A_253, %parallel_loop3A_254], %parallel_loop3A_257 {add = true, strides = array<i32>} : memref<512x128xf32, #tpu.memory_space<vmem>>, vector<1x16xf32>,
      %parallel_loop3A_258 = arith.index_cast %parallel_loop3A_228 : i32 to index
      %parallel_loop3A_259 = arith.constant 48 : index
      %parallel_loop3A_260 = tpu.vector_load %arg8[%parallel_loop3A_258, %parallel_loop3A_259] {strides = array<i32>} : memref<128x128xf32, #tpu.memory_space<vmem>>, vector<1x16xf32>,
      %parallel_loop3A_261 = vector.shape_cast %parallel_loop3A_260 : vector<1x16xf32> to vector<16xf32>
      %parallel_loop3A_262 = arith.index_cast %parallel_loop3A_230 : i32 to index
      %parallel_loop3A_263 = arith.constant 48 : index
      %parallel_loop3A_264 = tpu.vector_load %arg7[%parallel_loop3A_262, %parallel_loop3A_263] {strides = array<i32>} : memref<512x128xf32, #tpu.memory_space<vmem>>, vector<1x16xf32>,
      %parallel_loop3A_265 = vector.shape_cast %parallel_loop3A_264 : vector<1x16xf32> to vector<16xf32>
      %parallel_loop3A_266 = vector.shape_cast %parallel_loop3A_261 : vector<16xf32> to vector<1x16xf32>
      tpu.vector_store %arg7[%parallel_loop3A_262, %parallel_loop3A_263], %parallel_loop3A_266 {add = true, strides = array<i32>} : memref<512x128xf32, #tpu.memory_space<vmem>>, vector<1x16xf32>,
      %parallel_loop3A_267 = arith.index_cast %parallel_loop3A_228 : i32 to index
      %parallel_loop3A_268 = arith.constant 64 : index
      %parallel_loop3A_269 = tpu.vector_load %arg8[%parallel_loop3A_267, %parallel_loop3A_268] {strides = array<i32>} : memref<128x128xf32, #tpu.memory_space<vmem>>, vector<1x16xf32>,
      %parallel_loop3A_270 = vector.shape_cast %parallel_loop3A_269 : vector<1x16xf32> to vector<16xf32>
      %parallel_loop3A_271 = arith.index_cast %parallel_loop3A_230 : i32 to index
      %parallel_loop3A_272 = arith.constant 64 : index
      %parallel_loop3A_273 = tpu.vector_load %arg7[%parallel_loop3A_271, %parallel_loop3A_272] {strides = array<i32>} : memref<512x128xf32, #tpu.memory_space<vmem>>, vector<1x16xf32>,
      %parallel_loop3A_274 = vector.shape_cast %parallel_loop3A_273 : vector<1x16xf32> to vector<16xf32>
      %parallel_loop3A_275 = vector.shape_cast %parallel_loop3A_270 : vector<16xf32> to vector<1x16xf32>
      tpu.vector_store %arg7[%parallel_loop3A_271, %parallel_loop3A_272], %parallel_loop3A_275 {add = true, strides = array<i32>} : memref<512x128xf32, #tpu.memory_space<vmem>>, vector<1x16xf32>,
      %parallel_loop3A_276 = arith.index_cast %parallel_loop3A_228 : i32 to index
      %parallel_loop3A_277 = arith.constant 80 : index
      %parallel_loop3A_278 = tpu.vector_load %arg8[%parallel_loop3A_276, %parallel_loop3A_277] {strides = array<i32>} : memref<128x128xf32, #tpu.memory_space<vmem>>, vector<1x16xf32>,
      %parallel_loop3A_279 = vector.shape_cast %parallel_loop3A_278 : vector<1x16xf32> to vector<16xf32>
      %parallel_loop3A_280 = arith.index_cast %parallel_loop3A_230 : i32 to index
      %parallel_loop3A_281 = arith.constant 80 : index
      %parallel_loop3A_282 = tpu.vector_load %arg7[%parallel_loop3A_280, %parallel_loop3A_281] {strides = array<i32>} : memref<512x128xf32, #tpu.memory_space<vmem>>, vector<1x16xf32>,
      %parallel_loop3A_283 = vector.shape_cast %parallel_loop3A_282 : vector<1x16xf32> to vector<16xf32>
      %parallel_loop3A_284 = vector.shape_cast %parallel_loop3A_279 : vector<16xf32> to vector<1x16xf32>
      tpu.vector_store %arg7[%parallel_loop3A_280, %parallel_loop3A_281], %parallel_loop3A_284 {add = true, strides = array<i32>} : memref<512x128xf32, #tpu.memory_space<vmem>>, vector<1x16xf32>,
      %parallel_loop3A_285 = arith.index_cast %parallel_loop3A_228 : i32 to index
      %parallel_loop3A_286 = arith.constant 96 : index
      %parallel_loop3A_287 = tpu.vector_load %arg8[%parallel_loop3A_285, %parallel_loop3A_286] {strides = array<i32>} : memref<128x128xf32, #tpu.memory_space<vmem>>, vector<1x16xf32>,
      %parallel_loop3A_288 = vector.shape_cast %parallel_loop3A_287 : vector<1x16xf32> to vector<16xf32>
      %parallel_loop3A_289 = arith.index_cast %parallel_loop3A_230 : i32 to index
      %parallel_loop3A_290 = arith.constant 96 : index
      %parallel_loop3A_291 = tpu.vector_load %arg7[%parallel_loop3A_289, %parallel_loop3A_290] {strides = array<i32>} : memref<512x128xf32, #tpu.memory_space<vmem>>, vector<1x16xf32>,
      %parallel_loop3A_292 = vector.shape_cast %parallel_loop3A_291 : vector<1x16xf32> to vector<16xf32>
      %parallel_loop3A_293 = vector.shape_cast %parallel_loop3A_288 : vector<16xf32> to vector<1x16xf32>
      tpu.vector_store %arg7[%parallel_loop3A_289, %parallel_loop3A_290], %parallel_loop3A_293 {add = true, strides = array<i32>} : memref<512x128xf32, #tpu.memory_space<vmem>>, vector<1x16xf32>,
      %parallel_loop3A_294 = arith.index_cast %parallel_loop3A_228 : i32 to index
      %parallel_loop3A_295 = arith.constant 112 : index
      %parallel_loop3A_296 = tpu.vector_load %arg8[%parallel_loop3A_294, %parallel_loop3A_295] {strides = array<i32>} : memref<128x128xf32, #tpu.memory_space<vmem>>, vector<1x16xf32>,
      %parallel_loop3A_297 = vector.shape_cast %parallel_loop3A_296 : vector<1x16xf32> to vector<16xf32>
      %parallel_loop3A_298 = arith.index_cast %parallel_loop3A_230 : i32 to index
      %parallel_loop3A_299 = arith.constant 112 : index
      %parallel_loop3A_300 = tpu.vector_load %arg7[%parallel_loop3A_298, %parallel_loop3A_299] {strides = array<i32>} : memref<512x128xf32, #tpu.memory_space<vmem>>, vector<1x16xf32>,
      %parallel_loop3A_301 = vector.shape_cast %parallel_loop3A_300 : vector<1x16xf32> to vector<16xf32>
      %parallel_loop3A_302 = vector.shape_cast %parallel_loop3A_297 : vector<16xf32> to vector<1x16xf32>
      tpu.vector_store %arg7[%parallel_loop3A_298, %parallel_loop3A_299], %parallel_loop3A_302 {add = true, strides = array<i32>} : memref<512x128xf32, #tpu.memory_space<vmem>>, vector<1x16xf32>,
    } {sc.loop_unroll_factor = 2 : i64, sc.parallel_access}
    %add3A_176 = arith.constant 384 : i32
    %add3A_177 = arith.addi %mul3A_2, %add3A_176 : i32
    %dma_start3A_178 = arith.constant 384 : i32
    %dma_start3A_179 = arith.constant 0 : i32
    %dma_start3A_180 = tpu.memref_slice %arg7[%dma_start3A_178, %dma_start3A_179] : memref<512x128xf32, #tpu.memory_space<vmem>> -> memref<128x128xf32, #tpu.memory_space<vmem>>
    %dma_start3A_181 = arith.constant 0 : i32
    %dma_start3A_182 = tpu.memref_slice %arg5[%add3A_177, %dma_start3A_181] : memref<16384x128xf32, #tpu.memory_space<hbm>> -> memref<128x128xf32, #tpu.memory_space<hbm>>
    %dma_start3A_183 = arith.constant 0 : i32
    %dma_start3A_184 = tpu.memref_slice %arg5[%add3A_177, %dma_start3A_183] : memref<16384x128xf32, #tpu.memory_space<hbm>> -> memref<128x128xf32, #tpu.memory_space<hbm>>
    %dma_start3A_185 = arith.constant 384 : i32
    %dma_start3A_186 = arith.constant 0 : i32
    %dma_start3A_187 = tpu.memref_slice %arg7[%dma_start3A_185, %dma_start3A_186] : memref<512x128xf32, #tpu.memory_space<vmem>> -> memref<128x128xf32, #tpu.memory_space<vmem>>
    tpu.enqueue_dma source(%dma_start3A_187 : memref<128x128xf32, #tpu.memory_space<vmem>>) target(%dma_start3A_184 : memref<128x128xf32, #tpu.memory_space<hbm>>) target_semaphore(%arg18 : memref<!tpu.dma_semaphore, #tpu.memory_space<semaphore_mem>>)
    %dma_wait3A_188 = arith.constant 0 : i32
    %dma_wait3A_189 = arith.constant 0 : i32
    %dma_wait3A_190 = tpu.memref_slice %arg7[%dma_wait3A_188, %dma_wait3A_189] : memref<512x128xf32, #tpu.memory_space<vmem>> -> memref<128x128xf32, #tpu.memory_space<vmem>>
    %dma_wait3A_191 = arith.constant 0 : i32
    %dma_wait3A_192 = tpu.memref_slice %arg5[%add3A_87, %dma_wait3A_191] : memref<16384x128xf32, #tpu.memory_space<hbm>> -> memref<128x128xf32, #tpu.memory_space<hbm>>
    %dma_wait3A_193 = arith.constant 0 : i32
    %dma_wait3A_194 = tpu.memref_slice %arg5[%add3A_87, %dma_wait3A_193] : memref<16384x128xf32, #tpu.memory_space<hbm>> -> memref<128x128xf32, #tpu.memory_space<hbm>>
    %dma_wait3A_195 = arith.constant 0 : i32
    %dma_wait3A_196 = arith.constant 0 : i32
    %dma_wait3A_197 = tpu.memref_slice %arg7[%dma_wait3A_195, %dma_wait3A_196] : memref<512x128xf32, #tpu.memory_space<vmem>> -> memref<128x128xf32, #tpu.memory_space<vmem>>
    tpu.wait_dma2 semaphore(%arg18 : memref<!tpu.dma_semaphore, #tpu.memory_space<semaphore_mem>>) src(%dma_wait3A_197 : memref<128x128xf32, #tpu.memory_space<vmem>>) dst(%dma_wait3A_194 : memref<128x128xf32, #tpu.memory_space<hbm>>)
    %dma_wait3A_198 = arith.constant 128 : i32
    %dma_wait3A_199 = arith.constant 0 : i32
    %dma_wait3A_200 = tpu.memref_slice %arg7[%dma_wait3A_198, %dma_wait3A_199] : memref<512x128xf32, #tpu.memory_space<vmem>> -> memref<128x128xf32, #tpu.memory_space<vmem>>
    %dma_wait3A_201 = arith.constant 0 : i32
    %dma_wait3A_202 = tpu.memref_slice %arg5[%add3A_117, %dma_wait3A_201] : memref<16384x128xf32, #tpu.memory_space<hbm>> -> memref<128x128xf32, #tpu.memory_space<hbm>>
    %dma_wait3A_203 = arith.constant 0 : i32
    %dma_wait3A_204 = tpu.memref_slice %arg5[%add3A_117, %dma_wait3A_203] : memref<16384x128xf32, #tpu.memory_space<hbm>> -> memref<128x128xf32, #tpu.memory_space<hbm>>
    %dma_wait3A_205 = arith.constant 128 : i32
    %dma_wait3A_206 = arith.constant 0 : i32
    %dma_wait3A_207 = tpu.memref_slice %arg7[%dma_wait3A_205, %dma_wait3A_206] : memref<512x128xf32, #tpu.memory_space<vmem>> -> memref<128x128xf32, #tpu.memory_space<vmem>>
    tpu.wait_dma2 semaphore(%arg18 : memref<!tpu.dma_semaphore, #tpu.memory_space<semaphore_mem>>) src(%dma_wait3A_207 : memref<128x128xf32, #tpu.memory_space<vmem>>) dst(%dma_wait3A_204 : memref<128x128xf32, #tpu.memory_space<hbm>>)
    %dma_wait3A_208 = arith.constant 256 : i32
    %dma_wait3A_209 = arith.constant 0 : i32
    %dma_wait3A_210 = tpu.memref_slice %arg7[%dma_wait3A_208, %dma_wait3A_209] : memref<512x128xf32, #tpu.memory_space<vmem>> -> memref<128x128xf32, #tpu.memory_space<vmem>>
    %dma_wait3A_211 = arith.constant 0 : i32
    %dma_wait3A_212 = tpu.memref_slice %arg5[%add3A_147, %dma_wait3A_211] : memref<16384x128xf32, #tpu.memory_space<hbm>> -> memref<128x128xf32, #tpu.memory_space<hbm>>
    %dma_wait3A_213 = arith.constant 0 : i32
    %dma_wait3A_214 = tpu.memref_slice %arg5[%add3A_147, %dma_wait3A_213] : memref<16384x128xf32, #tpu.memory_space<hbm>> -> memref<128x128xf32, #tpu.memory_space<hbm>>
    %dma_wait3A_215 = arith.constant 256 : i32
    %dma_wait3A_216 = arith.constant 0 : i32
    %dma_wait3A_217 = tpu.memref_slice %arg7[%dma_wait3A_215, %dma_wait3A_216] : memref<512x128xf32, #tpu.memory_space<vmem>> -> memref<128x128xf32, #tpu.memory_space<vmem>>
    tpu.wait_dma2 semaphore(%arg18 : memref<!tpu.dma_semaphore, #tpu.memory_space<semaphore_mem>>) src(%dma_wait3A_217 : memref<128x128xf32, #tpu.memory_space<vmem>>) dst(%dma_wait3A_214 : memref<128x128xf32, #tpu.memory_space<hbm>>)
    %dma_wait3A_218 = arith.constant 384 : i32
    %dma_wait3A_219 = arith.constant 0 : i32
    %dma_wait3A_220 = tpu.memref_slice %arg7[%dma_wait3A_218, %dma_wait3A_219] : memref<512x128xf32, #tpu.memory_space<vmem>> -> memref<128x128xf32, #tpu.memory_space<vmem>>
    %dma_wait3A_221 = arith.constant 0 : i32
    %dma_wait3A_222 = tpu.memref_slice %arg5[%add3A_177, %dma_wait3A_221] : memref<16384x128xf32, #tpu.memory_space<hbm>> -> memref<128x128xf32, #tpu.memory_space<hbm>>
    %dma_wait3A_223 = arith.constant 0 : i32
    %dma_wait3A_224 = tpu.memref_slice %arg5[%add3A_177, %dma_wait3A_223] : memref<16384x128xf32, #tpu.memory_space<hbm>> -> memref<128x128xf32, #tpu.memory_space<hbm>>
    %dma_wait3A_225 = arith.constant 384 : i32
    %dma_wait3A_226 = arith.constant 0 : i32
    %dma_wait3A_227 = tpu.memref_slice %arg7[%dma_wait3A_225, %dma_wait3A_226] : memref<512x128xf32, #tpu.memory_space<vmem>> -> memref<128x128xf32, #tpu.memory_space<vmem>>
    tpu.wait_dma2 semaphore(%arg18 : memref<!tpu.dma_semaphore, #tpu.memory_space<semaphore_mem>>) src(%dma_wait3A_227 : memref<128x128xf32, #tpu.memory_space<vmem>>) dst(%dma_wait3A_224 : memref<128x128xf32, #tpu.memory_space<hbm>>)
    return
  }
}

</mosaic_0001>

<sc_bundles>
// kernel: _run.3.cloned.1.call-start
scs
__scs_entry_jumppad:
0x0: {  	(pc) =	sbr.rel $0x88, $3  }
0x1: {  	(tag) =	ssettag $0x0;
	lr =	simm.s32 $0x1  }
0x2: {  	[smem:$0x3F9E] =	sst lr;
	_ =	strace $0xD0000000  }
0x3: {  	_ = 	snop  }
0x4: {  	_ = 	snop  }
0x5: {  	_ = 	snop  }
0x6: {  	_ = 	snop  }
0x7: {  	_ = 	snop  }
__scs_overlays_trampoline_lowered:
0x8: {  	[smem:$0x3FAD] =	sst s0  }
0x9: {  	[smem:$0x3FAE] =	sst s1  }
0xa: {  	[smem:$0x3FAF] =	sst s2  }
0xb: {  	[smem:$0x3FB0] =	sst s3  }
0xc: {  	[smem:$0x3FB1] =	sst s4  }
0xd: {  	[smem:$0x3FB2] =	sst s5  }
0xe: {  	[smem:$0x3FB3] =	sst s6  }
0xf: {  	[smem:$0x3FB4] =	sst s7  }
0x10: {  	[smem:$0x3FB5] =	sst s8  }
0x11: {  	[smem:$0x3FB6] =	sst s9;
	s0 =	simm.s32 @!p0 $0x0  }
0x12: {  	s1 =	sld [smem:$0x3F9C];
	s0 =	simm.s32 @p0 $0x1  }
0x13: {  	[smem:$0x3FB7] =	sst s0;
	s0 =	simm.s32 @!p1 $0x0  }
0x14: {  	s2 =	sld [smem:$0x3F9B];
	s0 =	simm.s32 @p1 $0x1  }
0x15: {  	[smem:$0x3FB8] =	sst s0;
	s0 =	simm.s32 @!p2 $0x0  }
0x16: {  	s3 =	sld [smem:$0x3FDB];
	s0 =	simm.s32 @p2 $0x1  }
0x17: {  	s4 =	simm.s32 $0x1BF5;
	[smem:$0x3FBA] =	sst s0  }
0x18: {  	s0 =	sld [smem:$0x3F9D];
	_ =	swait.ge [sflag:s4], $0x0  }
0x19: {  	s7 =	sld [smem:$0x3F9E]  }
0x1a: {  	s8 =	sadd.s32 $0xFFFFE003, lr  }
0x1b: {  	s9 =	sadd.s32 $0xFFFFFEF7, lr;
	s5 =	simm.s32 $0xFFFFFFFF;
	p2 =	slt.u32 s8, $0xFFFFF086  }
0x1c: {  	p1 =	slt.u32 s9, $0xF7A;
	s5 =	simm.s32 @!p2 $0x0  }
0x1d: {  	s5 =	simm.s32 @p1 $0x1;
	p0 =	seq.s32 s7, s2  }
0x1e: {  	s7 =	smul.u32 @!p0 $0xF7A, s2;
	p2 =	seq.s32 @!p0 s5, $0x0  }
0x1f: {  	s9 =	smul.u32 $0xF7A, s1;
	s8 =	simm.s32 @!p0 $0x1BF5;
	p2 =	por !p2, p0  }
0x20: {  	[sflag:s8] =	ssyncset.s32 @!p0 $0xFFFFF086;
	s6 =	sadd.s32 @!p0 s3, s7;
	s7 =	simm.s32 @!p0 $0x108  }
0x21: {  	s3 =	sadd.s32 s3, s9;
	s6 =	sadd.s32 @!p0 $0x88, s6;
	s7 =	simm.s32 @p2 $0x1082  }
0x22: {  	[simem:s7], [sflag:s8] =	dma.local @!p0 [hbm:s6], $0xF7A  }
0x23: {  	s9 =	sor.u32 $0xD0000000, s2;
	s6 =	simm.s32 $0x108;
	_ =	swait.ge @!p0 [sflag:s8], $0x0  }
0x24: {  	s3 =	sadd.s32 $0x88, s3;
	s6 =	simm.s32 @!p1 $0x1082;
	[sflag:s4] =	ssyncset.s32 $0xFFFFF086  }
0x25: {  	[simem:s6], [sflag:s4] =	dma.local [hbm:s3], $0xF7A  }
0x26: {  	[smem:$0x3F9E] =	sst s1;
	(tag) =	ssettag s2;
	_ =	strace s9  }
0x27: {  	s1 =	sld [smem:$0x3FAE]  }
0x28: {  	s2 =	sld [smem:$0x3FAF]  }
0x29: {  	s4 =	sld [smem:$0x3FB1]  }
0x2a: {  	p0 =	seq.s32 s5, $0x0;
	s5 =	sld [smem:$0x3FB2]  }
0x2b: {  	s6 =	sld [smem:$0x3FB3]  }
0x2c: {  	s7 =	sld [smem:$0x3FB4]  }
0x2d: {  	s3 =	simm.s32 $0x108;
	s8 =	sld [smem:$0x3FB5]  }
0x2e: {  	s3 =	simm.s32 @!p0 $0x1082;
	s9 =	sld [smem:$0x3FB6]  }
0x2f: {  	lr =	sadd.s32 s0, s3;
	s0 =	sld [smem:$0x3FAD]  }
0x30: {  	s3 =	sld [smem:$0x3FB0]  }
0x31: {  	[smem:$0x3FB9] =	sst s10  }
0x32: {  	s10 =	sld [smem:$0x3FB7];
	_ =	sdelay $0x3  }
0x33: {  	p0 =	seq.s32 s10, $0x1;
	s10 =	sld [smem:$0x3FB9];
	_ =	sdelay $0x3  }
0x34: {  	[smem:$0x3FB9] =	sst s10  }
0x35: {  	s10 =	sld [smem:$0x3FB8];
	_ =	sdelay $0x3  }
0x36: {  	p1 =	seq.s32 s10, $0x1;
	s10 =	sld [smem:$0x3FB9];
	_ =	sdelay $0x3  }
0x37: {  	[smem:$0x3FB9] =	sst s10  }
0x38: {  	s10 =	sld [smem:$0x3FBA]  }
0x39: {  	_ = 	snop;
	(pc) =	sbr.ind lr, $3  }
0x3a: {  	_ = 	snop  }
0x3b: {  	_ = 	snop  }
0x3c: {  	p2 =	seq.s32 s10, $0x1;
	s10 =	sld [smem:$0x3FB9]  }
0x3d: {  	_ =	shalt  }
0x3e: {  	_ =	shalt  }
0x3f: {  	_ =	shalt  }
0x40: {  	_ =	shalt  }
0x41: {  	_ =	shalt  }
0x42: {  	_ =	shalt  }
0x43: {  	_ =	shalt  }
0x44: {  	_ =	shalt  }
0x45: {  	_ =	shalt  }
0x46: {  	_ =	shalt  }
0x47: {  	_ =	shalt  }
0x48: {  	_ =	shalt  }
0x49: {  	_ =	shalt  }
0x4a: {  	_ =	shalt  }
0x4b: {  	_ =	shalt  }
0x4c: {  	_ =	shalt  }
0x4d: {  	_ =	shalt  }
0x4e: {  	_ =	shalt  }
0x4f: {  	_ =	shalt  }
0x50: {  	_ =	shalt  }
0x51: {  	_ =	shalt  }
0x52: {  	_ =	shalt  }
0x53: {  	_ =	shalt  }
0x54: {  	_ =	shalt  }
0x55: {  	_ =	shalt  }
0x56: {  	_ =	shalt  }
0x57: {  	_ =	shalt  }
0x58: {  	_ =	shalt  }
0x59: {  	_ =	shalt  }
0x5a: {  	_ =	shalt  }
0x5b: {  	_ =	shalt  }
0x5c: {  	_ =	shalt  }
0x5d: {  	_ =	shalt  }
0x5e: {  	_ =	shalt  }
0x5f: {  	_ =	shalt  }
0x60: {  	_ =	shalt  }
0x61: {  	_ =	shalt  }
0x62: {  	_ =	shalt  }
0x63: {  	_ =	shalt  }
0x64: {  	_ =	shalt  }
0x65: {  	_ =	shalt  }
0x66: {  	_ =	shalt  }
0x67: {  	_ =	shalt  }
0x68: {  	_ =	shalt  }
0x69: {  	_ =	shalt  }
0x6a: {  	_ =	shalt  }
0x6b: {  	_ =	shalt  }
0x6c: {  	_ =	shalt  }
0x6d: {  	_ =	shalt  }
0x6e: {  	_ =	shalt  }
0x6f: {  	_ =	shalt  }
0x70: {  	_ =	shalt  }
0x71: {  	_ =	shalt  }
0x72: {  	_ =	shalt  }
0x73: {  	_ =	shalt  }
0x74: {  	_ =	shalt  }
0x75: {  	_ =	shalt  }
0x76: {  	_ =	shalt  }
0x77: {  	_ =	shalt  }
0x78: {  	_ =	shalt  }
0x79: {  	_ =	shalt  }
0x7a: {  	_ =	shalt  }
0x7b: {  	_ =	shalt  }
0x7c: {  	_ =	shalt  }
0x7d: {  	_ =	shalt  }
0x7e: {  	_ =	shalt  }
0x7f: {  	_ =	shalt  }
0x80: {  	_ =	shalt  }
0x81: {  	_ =	shalt  }
0x82: {  	_ =	shalt  }
0x83: {  	_ =	shalt  }
0x84: {  	_ =	shalt  }
0x85: {  	_ =	shalt  }
0x86: {  	_ =	shalt  }
0x87: {  	_ =	shalt  }
.Lfunc_end0:
.L_simem_size_0:
called_computation_lowered:
.L_overlay_start_0:
0x88: {  	s2 =	sld [smem:$0x3FD9]  }
0x89: {  	s3 =	sld [smem:$0x3FFE];
	_ =	sdelay $0x1  }
0x8a: {  	s1 =	srdreg.scid  }
0x8b: {  	s0 =	sand.u32 $0x1, s1  }
0x8c: {  	s18 =	sshll.u32 s0, $0xA;
	s2 =	sadd.s32 s3, s2  }
0x8d: {  	s2 =	sadd.s32 s2, s18  }
0x8e: {  	[smem:$0x3FC5] =	sst s2  }
0x8f: {  	_ = 	snop  }
0x90: {  	s2 =	sld [smem:$0x3FC9]  }
0x91: {  	s19 =	sld [smem:$0x3FC8]  }
0x92: {  	s4 =	sld [smem:$0x3FC7]  }
0x93: {  	s5 =	sld [smem:$0x3FD0];
	(tm) =	ssettm $0x1  }
0x94: {  	s6 =	sld [smem:$0x3FFB];
	_ =	sdelay $0x3  }
0x95: {  	_ =	strace s6  }
0x96: {  	s6 =	sld [smem:$0x3FFC];
	_ =	sdelay $0x3  }
0x97: {  	_ =	strace s6  }
0x98: {  	s6 =	sld [smem:$0x3FFD];
	_ =	sdelay $0x3  }
0x99: {  	_ =	strace s6  }
0x9a: {  	_ =	strace $0x8FFFFFFF  }
0x9b: {  	s20 =	sld [smem:$0x3FDB];
	_ =	sdelay $0x1  }
0x9c: {  	s7 =	simm.s32 $_scs_section_size  }
0x9d: {  	s8 =	simm.s32 $_size__tile_overlayer_lowered;
	s9 =	simm.s32 $_tile_overlayer_lowered  }
0x9e: {  	s23 =	simm.s32 $0x1BFF;
	s22 =	sshll.u32 s9, $0x1;
	s6 =	sadd.s32 s7, s20  }
0x9f: {  	s10 =	simm.s32 $0x0;
	s21 =	sshll.u32 s8, $0x1;
	s8 =	sadd.s32 s22, s6  }
0xa0: {  	[timem:s10], [sflag:s23] =	dma.local [hbm:s8], s21  }
0xa1: {  	_ =	swait.ge [sflag:s23], s21  }
0xa2: {  	s7 =	ssub.s32 $0x0, s21;
	[sflag:s23] =	ssyncset.done $0x0  }
0xa3: {  	[sflag:s23] =	ssyncadd.s32 s7;
	_ =	sdelay $0x1  }
0xa4: {  	s24 =	simm.s32 $0x1B8B  }
0xa5: {  	_ =	swait.ge [sflag:s24], $0x1  }
0xa6: {  	[sflag:s24] =	ssyncset.done $0x0  }
0xa7: {  	s25 =	simm.s32 $0x1B8E;
	[sflag:s24] =	ssyncadd.s32 $0xFFFFFFFF  }
0xa8: {  	s26 =	simm.s32 $execute0_lowered;
	[smem:$0x3FD2] =	sst s25  }
0xa9: {  	s7 =	sshll.u32 s26, $0x1;
	_ =	strace $0x80000046;
	[dreg:$0x1] =	wrdreg $0xFFFFFFFF  }
0xaa: {  	s28 =	simm.s32 $_size_execute0_lowered;
	s6 =	sadd.s32 s6, s7;
	[dreg:$0x0] =	wrdreg $0x0  }
0xab: {  	s7 =	sshll.u32 s28, $0x1;
	[dreg:$0x2] =	wrdreg s6  }
0xac: {  	[dreg:$0x3] =	wrdreg s7  }
0xad: {  	[dreg:$0x4] =	wrdreg $0xC0  }
0xae: {  	_ =	task [dreg:s10], $0x5FFFF  }
0xaf: {  	[dreg:$0x1] =	wrdreg $0xFFFFFFFF  }
0xb0: {  	[dreg:$0x0] =	wrdreg $0x60  }
0xb1: {  	[dreg:$0x2] =	wrdreg s2  }
0xb2: {  	[dreg:$0x3] =	wrdreg s19  }
0xb3: {  	[dreg:$0x4] =	wrdreg s4  }
0xb4: {  	[dreg:$0x5] =	wrdreg s5  }
0xb5: {  	[dreg:$0x6] =	wrdreg $0x9  }
0xb6: {  	_ =	task.clear_ibuf [dreg:s10], $0x7FFFF;
	_ =	strace $0x90000046  }
0xb7: {  	s29 =	simm.s32 $0x9;
	_ =	strace $0x80000048  }
0xb8: {  	_ =	swait.ge [sflag:s29], $0x1  }
0xb9: {  	[sflag:s29] =	ssyncadd.s32 $0xFFFFFFFF  }
0xba: {  	_ =	strace $0x90000048  }
0xbb: {  	_ =	sfence  }
0xbc: {  	s30 =	sld [smem:$0x0];
	_ =	sdelay $0x2  }
0xbd: {  	s31 =	sshll.u32 s1, $0xD;
	s1 =	sshrl.u32 s1, $0x2  }
0xbe: {  	s3 =	sand.u32 $0x4000, s31;
	s1 =	sadd.s32 s1, s30  }
0xbf: {  	s0 =	sor.u32 s3, s0;
	s1 =	sshll.u32 s1, $0x11  }
0xc0: {  	s0 =	sor.u32 s1, s0  }
0xc1: {  	s0 =	sadd.s32 $0x8F2B, s0  }
0xc2: {  	[sflag:s0] =	ssyncadd.remote.s32 $0x1  }
0xc3: {  	_ =	sfence.sel $0xFFFF  }
0xc4: {  	[dreg:$0x0] =	wrdreg $0xFFFFFFFF;
	(pc) =	sbr.abs _section_cstart, $3  }
0xc5: {  	[dreg:$0x1] =	wrdreg $0xFFFFFFFF  }
0xc6: {  	_ =	task.clear_ibuf [dreg:s10], $0x2FFFF;
	_ =	strace $0x9FFFFFFF  }
0xc7: {  	(tm) =	ssettm $0x7FFFFFFF  }
tec
execute0_lowered:
.L_overlay_start_1:
0x0: {  	(tag) =	ssettag $0x1  }
0x1: {  	s0 =	rddreg [dreg:$0x0]  }
0x2: {  	s2 =	rddreg [dreg:$0x1]  }
0x3: {  	s1 =	rddreg [dreg:$0x2]  }
0x4: {  	s12 =	rddreg [dreg:$0x3];
	s3 =	simm.s32 $0x0  }
0x5: {  	s4 =	srdreg.scid;
	s6 =	stileid.u32;
	s15 =	simm.s32 $0x80  }
0x6: {  	s16 =	simm.s32 $0x10200;
	s17 =	simm.s32 $0x200;
	s19 =	simm.s32 $0x4200  }
0x7: {  	s22 =	simm.s32 $0x8200;
	s23 =	simm.s32 $0xC200;
	s24 =	simm.s32 $0x1  }
0x8: {  	s28 =	simm.s32 $0x2;
	s29 =	simm.s32 $0x5;
	s30 =	simm.s32 $0x3  }
0x9: {  	s31 =	simm.s32 $0x6;
	[smem:$0x7FF] =	sst s3;
	s4 =	sand.u32 $0x1, s4  }
0xa: {  	s6 =	sshll.u32 s6, $0xA;
	s5 =	ssub.s32 $0x2, s4;
	s4 =	sshll.u32 s4, $0x9  }
0xb: {  	s18 =	simm.s32 $0x0;
	_ =	strace $0x80000047;
	s4 =	sor.u32 s4, s6  }
0xc: {  	s7 =	sshrl.u32 s5, $0x1;
	s25 =	sshrl.u32 s4, $0x3;
	s9 =	sshll.u32 s4, $0x4  }
0xd: {  	s13 =	ssub.s32 s5, s7;
	s4 =	sadd.s32 s2, s25;
	s5 =	sadd.s32 s0, s9  }
0xe: {  	s26 =	sor.u32 $0x800, s9;
	s11 =	sor.u32 $0x1000, s9;
	s14 =	sor.u32 $0x1800, s9  }
0xf: {  	s9 =	sadd.s32 s12, s9;
	s13 =	smax.u32 s13, $0x1;
	s25 =	simm.s32 $0x4  }
0x10: {  	s2 =	simm.s32 $0x8;
	s6 =	sadd.s32 s0, s26;
	s7 =	sadd.s32 s0, s11  }
0x11: {  	s8 =	sadd.s32 s0, s14;
	s10 =	sadd.s32 s12, s26;
	s11 =	sadd.s32 s12, s11  }
0x12: {  	s12 =	sadd.s32 s12, s14;
	s14 =	simm.s32 $0x9;
	s0 =	simm.s32 $0x7  }
.LBB2_1:
0x13: {  	[tilespmem:s3], [sflag:$0x9] =	stream.linear.gather [hbm4b:s4+s3], $0x200, $0x38;
	[tilespmem:$0x1C200] =	vst v63  }
0x14: {  	_ =	swait.ge [sflag:s14], $0x200  }
0x15: {  	[sflag:s14] =	ssyncset.done $0x0  }
0x16: {  	[sflag:s14] =	ssyncadd.s32 $0xFFFFFE00  }
0x17: {  	[tilespmem:s16], [sflag:$0x1] =	stream.indirect.gather [hbm4b:s1+s15], $0x80, s3, s15, $0xb8;
	[tilespmem:$0x1C200] =	vst v63  }
0x18: {  	_ = 	snop  }
0x19: {  	[tilespmem:s17], [sflag:$0x4] =	stream.linear.gather [hbm4b:s5+s3], $0x4000, $0x38;
	[tilespmem:$0x1C200] =	vst v63  }
0x1a: {  	s20 =	simm.s32 $0x14200  }
0x1b: {  	[tilespmem:s20], [sflag:$0x2] =	stream.indirect.gather [hbm4b:s1+s15], $0x80, s15, s15, $0xb8;
	[tilespmem:$0x1C200] =	vst v63  }
0x1c: {  	_ = 	snop  }
0x1d: {  	[tilespmem:s19], [sflag:$0x5] =	stream.linear.gather [hbm4b:s6+s3], $0x4000, $0x38;
	[tilespmem:$0x1C200] =	vst v63  }
0x1e: {  	s26 =	simm.s32 $0x100;
	s21 =	simm.s32 $0x18200  }
0x1f: {  	[tilespmem:s21], [sflag:$0x3] =	stream.indirect.gather [hbm4b:s1+s15], $0x80, s26, s15, $0xb8;
	[tilespmem:$0x1C200] =	vst v63  }
0x20: {  	_ = 	snop  }
0x21: {  	[tilespmem:s22], [sflag:$0x6] =	stream.linear.gather [hbm4b:s7+s3], $0x4000, $0x38;
	[tilespmem:$0x1C200] =	vst v63  }
0x22: {  	_ = 	snop  }
0x23: {  	[tilespmem:s23], [sflag:$0x7] =	stream.linear.gather [hbm4b:s8+s3], $0x4000, $0x38;
	[tilespmem:$0x1C200] =	vst v63  }
0x24: {  	_ =	swait.ge [sflag:s24], $0x4000  }
0x25: {  	[sflag:s24] =	ssyncset.done $0x0  }
0x26: {  	[sflag:s24] =	ssyncadd.s32 $0xFFFFC000  }
0x27: {  	_ =	swait.ge [sflag:s25], $0x4000  }
0x28: {  	[sflag:s25] =	ssyncset.done $0x0  }
0x29: {  	s20 =	simm.s32 $0x0;
	[sflag:s25] =	ssyncadd.s32 $0xFFFFC000  }
0x2a: {  	v0 =	vld [tilespmem:s20+$0x102F0]  }
0x2b: {  	v1 =	vld [tilespmem:s20+$0x10200]  }
0x2c: {  	v2 =	vld [tilespmem:s20+$0x10210]  }
0x2d: {  	v3 =	vld [tilespmem:s20+$0x10220]  }
0x2e: {  	v4 =	vld [tilespmem:s20+$0x10230]  }
0x2f: {  	v5 =	vld [tilespmem:s20+$0x10240]  }
0x30: {  	v6 =	vld [tilespmem:s20+$0x10250]  }
0x31: {  	v7 =	vld [tilespmem:s20+$0x10260]  }
0x32: {  	v8 =	vld [tilespmem:s20+$0x10270]  }
0x33: {  	v9 =	vld [tilespmem:s20+$0x10280]  }
0x34: {  	v10 =	vld [tilespmem:s20+$0x10290]  }
0x35: {  	v11 =	vld [tilespmem:s20+$0x102A0]  }
0x36: {  	v12 =	vld [tilespmem:s20+$0x102B0]  }
0x37: {  	v13 =	vld [tilespmem:s20+$0x102C0]  }
0x38: {  	v14 =	vld [tilespmem:s20+$0x102D0]  }
0x39: {  	[tilespmem:s20+$0x2F0] =	vst.add.f32.msk $0xffff, v0  }
0x3a: {  	v0 =	vld [tilespmem:s20+$0x102E0]  }
0x3b: {  	[tilespmem:s20+$0x200] =	vst.add.f32.msk $0xffff, v1  }
0x3c: {  	[tilespmem:s20+$0x210] =	vst.add.f32.msk $0xffff, v2  }
0x3d: {  	[tilespmem:s20+$0x220] =	vst.add.f32.msk $0xffff, v3  }
0x3e: {  	[tilespmem:s20+$0x230] =	vst.add.f32.msk $0xffff, v4  }
0x3f: {  	[tilespmem:s20+$0x240] =	vst.add.f32.msk $0xffff, v5  }
0x40: {  	[tilespmem:s20+$0x250] =	vst.add.f32.msk $0xffff, v6  }
0x41: {  	[tilespmem:s20+$0x260] =	vst.add.f32.msk $0xffff, v7  }
0x42: {  	[tilespmem:s20+$0x270] =	vst.add.f32.msk $0xffff, v8  }
0x43: {  	[tilespmem:s20+$0x280] =	vst.add.f32.msk $0xffff, v9  }
0x44: {  	[tilespmem:s20+$0x290] =	vst.add.f32.msk $0xffff, v10  }
0x45: {  	[tilespmem:s20+$0x2A0] =	vst.add.f32.msk $0xffff, v11  }
0x46: {  	[tilespmem:s20+$0x2B0] =	vst.add.f32.msk $0xffff, v12  }
0x47: {  	[tilespmem:s20+$0x2C0] =	vst.add.f32.msk $0xffff, v13  }
0x48: {  	s21 =	simm.s32 $0x0;
	s26 =	simm.s32 $0x400;
	[tilespmem:s20+$0x2D0] =	vst.add.f32.msk $0xffff, v14  }
.LBB2_2:
0x49: {  	s21 =	sadd.s32 $0x2, s21;
	[tilespmem:s20+$0x2E0] =	vst.add.f32.msk $0xffff, v0;
	s20 =	sshra.s32 s26, $0x2  }
0x4a: {  	v0 =	vld [tilespmem:s20+$0x102F0];
	p0 =	slt.u32 s21, $0x7E  }
0x4b: {  	v1 =	vld [tilespmem:s20+$0x10200]  }
0x4c: {  	v2 =	vld [tilespmem:s20+$0x10210]  }
0x4d: {  	v3 =	vld [tilespmem:s20+$0x10220]  }
0x4e: {  	v4 =	vld [tilespmem:s20+$0x10230]  }
0x4f: {  	[tilespmem:s20+$0x2F0] =	vst.add.f32.msk $0xffff, v0  }
0x50: {  	v5 =	vld [tilespmem:s20+$0x10240]  }
0x51: {  	v6 =	vld [tilespmem:s20+$0x10250]  }
0x52: {  	v7 =	vld [tilespmem:s20+$0x10260]  }
0x53: {  	v8 =	vld [tilespmem:s20+$0x10270]  }
0x54: {  	v9 =	vld [tilespmem:s20+$0x10280]  }
0x55: {  	v10 =	vld [tilespmem:s20+$0x10290]  }
0x56: {  	v11 =	vld [tilespmem:s20+$0x102A0]  }
0x57: {  	v12 =	vld [tilespmem:s20+$0x102B0]  }
0x58: {  	v13 =	vld [tilespmem:s20+$0x102C0]  }
0x59: {  	v14 =	vld [tilespmem:s20+$0x102D0]  }
0x5a: {  	v0 =	vld [tilespmem:s20+$0x102E0]  }
0x5b: {  	[tilespmem:s20+$0x200] =	vst.add.f32.msk $0xffff, v1  }
0x5c: {  	[tilespmem:s20+$0x210] =	vst.add.f32.msk $0xffff, v2  }
0x5d: {  	[tilespmem:s20+$0x220] =	vst.add.f32.msk $0xffff, v3  }
0x5e: {  	[tilespmem:s20+$0x230] =	vst.add.f32.msk $0xffff, v4  }
0x5f: {  	[tilespmem:s20+$0x240] =	vst.add.f32.msk $0xffff, v5  }
0x60: {  	[tilespmem:s20+$0x250] =	vst.add.f32.msk $0xffff, v6  }
0x61: {  	[tilespmem:s20+$0x260] =	vst.add.f32.msk $0xffff, v7  }
0x62: {  	[tilespmem:s20+$0x270] =	vst.add.f32.msk $0xffff, v8  }
0x63: {  	[tilespmem:s20+$0x280] =	vst.add.f32.msk $0xffff, v9  }
.Ltmp0:
0x64: {  	[tilespmem:s20+$0x290] =	vst.add.f32.msk $0xffff, v10;
	(pc) =	sbr.rel @p0 .LBB2_2-.Ltmp0, $4  }
0x65: {  	[tilespmem:s20+$0x2A0] =	vst.add.f32.msk $0xffff, v11  }
0x66: {  	[tilespmem:s20+$0x2B0] =	vst.add.f32.msk $0xffff, v12  }
0x67: {  	[tilespmem:s20+$0x2C0] =	vst.add.f32.msk $0xffff, v13  }
0x68: {  	s26 =	sadd.s32 $0x400, s26;
	[tilespmem:s20+$0x2D0] =	vst.add.f32.msk $0xffff, v14  }
0x69: {  	[tilespmem:s20+$0x2E0] =	vst.add.f32.msk $0xffff, v0;
	s21 =	simm.s32 $0x180  }
0x6a: {  	[tilespmem:s16], [sflag:$0x1] =	stream.indirect.gather [hbm4b:s1+s15], $0x80, s21, s15, $0xb8;
	[tilespmem:$0x1C200] =	vst v63  }
0x6b: {  	s26 =	simm.s32 $0x0  }
0x6c: {  	[hbm4b:s9+s26] =	stream.linear.scatter [tilespmem:s17], [sflag:$0x8], $0x4000, $0x38;
	[tilespmem:$0x1C200] =	vst v63  }
0x6d: {  	_ =	swait.ge [sflag:s28], $0x4000  }
0x6e: {  	[sflag:s28] =	ssyncset.done $0x0  }
0x6f: {  	[sflag:s28] =	ssyncadd.s32 $0xFFFFC000  }
0x70: {  	_ =	swait.ge [sflag:s29], $0x4000  }
0x71: {  	[sflag:s29] =	ssyncset.done $0x0  }
0x72: {  	s20 =	simm.s32 $0x0;
	[sflag:s29] =	ssyncadd.s32 $0xFFFFC000  }
0x73: {  	v0 =	vld [tilespmem:s20+$0x142F0]  }
0x74: {  	v1 =	vld [tilespmem:s20+$0x14200]  }
0x75: {  	v2 =	vld [tilespmem:s20+$0x14210]  }
0x76: {  	v3 =	vld [tilespmem:s20+$0x14220]  }
0x77: {  	v4 =	vld [tilespmem:s20+$0x14230]  }
0x78: {  	v5 =	vld [tilespmem:s20+$0x14240]  }
0x79: {  	v6 =	vld [tilespmem:s20+$0x14250]  }
0x7a: {  	v7 =	vld [tilespmem:s20+$0x14260]  }
0x7b: {  	v8 =	vld [tilespmem:s20+$0x14270]  }
0x7c: {  	v9 =	vld [tilespmem:s20+$0x14280]  }
0x7d: {  	v10 =	vld [tilespmem:s20+$0x14290]  }
0x7e: {  	v11 =	vld [tilespmem:s20+$0x142A0]  }
0x7f: {  	v12 =	vld [tilespmem:s20+$0x142B0]  }
0x80: {  	v13 =	vld [tilespmem:s20+$0x142C0]  }
0x81: {  	v14 =	vld [tilespmem:s20+$0x142D0]  }
0x82: {  	[tilespmem:s20+$0x42F0] =	vst.add.f32.msk $0xffff, v0  }
0x83: {  	v0 =	vld [tilespmem:s20+$0x142E0]  }
0x84: {  	[tilespmem:s20+$0x4200] =	vst.add.f32.msk $0xffff, v1  }
0x85: {  	[tilespmem:s20+$0x4210] =	vst.add.f32.msk $0xffff, v2  }
0x86: {  	[tilespmem:s20+$0x4220] =	vst.add.f32.msk $0xffff, v3  }
0x87: {  	[tilespmem:s20+$0x4230] =	vst.add.f32.msk $0xffff, v4  }
0x88: {  	[tilespmem:s20+$0x4240] =	vst.add.f32.msk $0xffff, v5  }
0x89: {  	[tilespmem:s20+$0x4250] =	vst.add.f32.msk $0xffff, v6  }
0x8a: {  	[tilespmem:s20+$0x4260] =	vst.add.f32.msk $0xffff, v7  }
0x8b: {  	[tilespmem:s20+$0x4270] =	vst.add.f32.msk $0xffff, v8  }
0x8c: {  	[tilespmem:s20+$0x4280] =	vst.add.f32.msk $0xffff, v9  }
0x8d: {  	[tilespmem:s20+$0x4290] =	vst.add.f32.msk $0xffff, v10  }
0x8e: {  	[tilespmem:s20+$0x42A0] =	vst.add.f32.msk $0xffff, v11  }
0x8f: {  	[tilespmem:s20+$0x42B0] =	vst.add.f32.msk $0xffff, v12  }
0x90: {  	[tilespmem:s20+$0x42C0] =	vst.add.f32.msk $0xffff, v13  }
0x91: {  	s21 =	simm.s32 $0x0;
	s26 =	simm.s32 $0x400;
	[tilespmem:s20+$0x42D0] =	vst.add.f32.msk $0xffff, v14  }
.LBB2_4:
0x92: {  	s21 =	sadd.s32 $0x2, s21;
	[tilespmem:s20+$0x42E0] =	vst.add.f32.msk $0xffff, v0;
	s20 =	sshra.s32 s26, $0x2  }
0x93: {  	v0 =	vld [tilespmem:s20+$0x142F0];
	p0 =	slt.u32 s21, $0x7E  }
0x94: {  	v1 =	vld [tilespmem:s20+$0x14200]  }
0x95: {  	v2 =	vld [tilespmem:s20+$0x14210]  }
0x96: {  	v3 =	vld [tilespmem:s20+$0x14220]  }
0x97: {  	v4 =	vld [tilespmem:s20+$0x14230]  }
0x98: {  	[tilespmem:s20+$0x42F0] =	vst.add.f32.msk $0xffff, v0  }
0x99: {  	v5 =	vld [tilespmem:s20+$0x14240]  }
0x9a: {  	v6 =	vld [tilespmem:s20+$0x14250]  }
0x9b: {  	v7 =	vld [tilespmem:s20+$0x14260]  }
0x9c: {  	v8 =	vld [tilespmem:s20+$0x14270]  }
0x9d: {  	v9 =	vld [tilespmem:s20+$0x14280]  }
0x9e: {  	v10 =	vld [tilespmem:s20+$0x14290]  }
0x9f: {  	v11 =	vld [tilespmem:s20+$0x142A0]  }
0xa0: {  	v12 =	vld [tilespmem:s20+$0x142B0]  }
0xa1: {  	v13 =	vld [tilespmem:s20+$0x142C0]  }
0xa2: {  	v14 =	vld [tilespmem:s20+$0x142D0]  }
0xa3: {  	v0 =	vld [tilespmem:s20+$0x142E0]  }
0xa4: {  	[tilespmem:s20+$0x4200] =	vst.add.f32.msk $0xffff, v1  }
0xa5: {  	[tilespmem:s20+$0x4210] =	vst.add.f32.msk $0xffff, v2  }
0xa6: {  	[tilespmem:s20+$0x4220] =	vst.add.f32.msk $0xffff, v3  }
0xa7: {  	[tilespmem:s20+$0x4230] =	vst.add.f32.msk $0xffff, v4  }
0xa8: {  	[tilespmem:s20+$0x4240] =	vst.add.f32.msk $0xffff, v5  }
0xa9: {  	[tilespmem:s20+$0x4250] =	vst.add.f32.msk $0xffff, v6  }
0xaa: {  	[tilespmem:s20+$0x4260] =	vst.add.f32.msk $0xffff, v7  }
0xab: {  	[tilespmem:s20+$0x4270] =	vst.add.f32.msk $0xffff, v8  }
0xac: {  	[tilespmem:s20+$0x4280] =	vst.add.f32.msk $0xffff, v9  }
.Ltmp1:
0xad: {  	[tilespmem:s20+$0x4290] =	vst.add.f32.msk $0xffff, v10;
	(pc) =	sbr.rel @p0 .LBB2_4-.Ltmp1, $4  }
0xae: {  	[tilespmem:s20+$0x42A0] =	vst.add.f32.msk $0xffff, v11  }
0xaf: {  	[tilespmem:s20+$0x42B0] =	vst.add.f32.msk $0xffff, v12  }
0xb0: {  	[tilespmem:s20+$0x42C0] =	vst.add.f32.msk $0xffff, v13  }
0xb1: {  	s26 =	sadd.s32 $0x400, s26;
	[tilespmem:s20+$0x42D0] =	vst.add.f32.msk $0xffff, v14  }
0xb2: {  	[tilespmem:s20+$0x42E0] =	vst.add.f32.msk $0xffff, v0;
	s26 =	simm.s32 $0x0  }
0xb3: {  	[hbm4b:s10+s26] =	stream.linear.scatter [tilespmem:s19], [sflag:$0x8], $0x4000, $0x38;
	[tilespmem:$0x1C200] =	vst v63  }
0xb4: {  	_ =	swait.ge [sflag:s30], $0x4000  }
0xb5: {  	[sflag:s30] =	ssyncset.done $0x0  }
0xb6: {  	[sflag:s30] =	ssyncadd.s32 $0xFFFFC000  }
0xb7: {  	_ =	swait.ge [sflag:s31], $0x4000  }
0xb8: {  	[sflag:s31] =	ssyncset.done $0x0  }
0xb9: {  	s20 =	simm.s32 $0x0;
	[sflag:s31] =	ssyncadd.s32 $0xFFFFC000  }
0xba: {  	v0 =	vld [tilespmem:s20+$0x182F0]  }
0xbb: {  	v1 =	vld [tilespmem:s20+$0x18200]  }
0xbc: {  	v2 =	vld [tilespmem:s20+$0x18210]  }
0xbd: {  	v3 =	vld [tilespmem:s20+$0x18220]  }
0xbe: {  	v4 =	vld [tilespmem:s20+$0x18230]  }
0xbf: {  	v5 =	vld [tilespmem:s20+$0x18240]  }
0xc0: {  	v6 =	vld [tilespmem:s20+$0x18250]  }
0xc1: {  	v7 =	vld [tilespmem:s20+$0x18260]  }
0xc2: {  	v8 =	vld [tilespmem:s20+$0x18270]  }
0xc3: {  	v9 =	vld [tilespmem:s20+$0x18280]  }
0xc4: {  	v10 =	vld [tilespmem:s20+$0x18290]  }
0xc5: {  	v11 =	vld [tilespmem:s20+$0x182A0]  }
0xc6: {  	v12 =	vld [tilespmem:s20+$0x182B0]  }
0xc7: {  	v13 =	vld [tilespmem:s20+$0x182C0]  }
0xc8: {  	v14 =	vld [tilespmem:s20+$0x182D0]  }
0xc9: {  	[tilespmem:s20+$0x82F0] =	vst.add.f32.msk $0xffff, v0  }
0xca: {  	v0 =	vld [tilespmem:s20+$0x182E0]  }
0xcb: {  	[tilespmem:s20+$0x8200] =	vst.add.f32.msk $0xffff, v1  }
0xcc: {  	[tilespmem:s20+$0x8210] =	vst.add.f32.msk $0xffff, v2  }
0xcd: {  	[tilespmem:s20+$0x8220] =	vst.add.f32.msk $0xffff, v3  }
0xce: {  	[tilespmem:s20+$0x8230] =	vst.add.f32.msk $0xffff, v4  }
0xcf: {  	[tilespmem:s20+$0x8240] =	vst.add.f32.msk $0xffff, v5  }
0xd0: {  	[tilespmem:s20+$0x8250] =	vst.add.f32.msk $0xffff, v6  }
0xd1: {  	[tilespmem:s20+$0x8260] =	vst.add.f32.msk $0xffff, v7  }
0xd2: {  	[tilespmem:s20+$0x8270] =	vst.add.f32.msk $0xffff, v8  }
0xd3: {  	[tilespmem:s20+$0x8280] =	vst.add.f32.msk $0xffff, v9  }
0xd4: {  	[tilespmem:s20+$0x8290] =	vst.add.f32.msk $0xffff, v10  }
0xd5: {  	[tilespmem:s20+$0x82A0] =	vst.add.f32.msk $0xffff, v11  }
0xd6: {  	[tilespmem:s20+$0x82B0] =	vst.add.f32.msk $0xffff, v12  }
0xd7: {  	[tilespmem:s20+$0x82C0] =	vst.add.f32.msk $0xffff, v13  }
0xd8: {  	s21 =	simm.s32 $0x0;
	s26 =	simm.s32 $0x400;
	[tilespmem:s20+$0x82D0] =	vst.add.f32.msk $0xffff, v14  }
.LBB2_6:
0xd9: {  	s21 =	sadd.s32 $0x2, s21;
	[tilespmem:s20+$0x82E0] =	vst.add.f32.msk $0xffff, v0;
	s20 =	sshra.s32 s26, $0x2  }
0xda: {  	v0 =	vld [tilespmem:s20+$0x182F0];
	p0 =	slt.u32 s21, $0x7E  }
0xdb: {  	v1 =	vld [tilespmem:s20+$0x18200]  }
0xdc: {  	v2 =	vld [tilespmem:s20+$0x18210]  }
0xdd: {  	v3 =	vld [tilespmem:s20+$0x18220]  }
0xde: {  	v4 =	vld [tilespmem:s20+$0x18230]  }
0xdf: {  	[tilespmem:s20+$0x82F0] =	vst.add.f32.msk $0xffff, v0  }
0xe0: {  	v5 =	vld [tilespmem:s20+$0x18240]  }
0xe1: {  	v6 =	vld [tilespmem:s20+$0x18250]  }
0xe2: {  	v7 =	vld [tilespmem:s20+$0x18260]  }
0xe3: {  	v8 =	vld [tilespmem:s20+$0x18270]  }
0xe4: {  	v9 =	vld [tilespmem:s20+$0x18280]  }
0xe5: {  	v10 =	vld [tilespmem:s20+$0x18290]  }
0xe6: {  	v11 =	vld [tilespmem:s20+$0x182A0]  }
0xe7: {  	v12 =	vld [tilespmem:s20+$0x182B0]  }
0xe8: {  	v13 =	vld [tilespmem:s20+$0x182C0]  }
0xe9: {  	v14 =	vld [tilespmem:s20+$0x182D0]  }
0xea: {  	v0 =	vld [tilespmem:s20+$0x182E0]  }
0xeb: {  	[tilespmem:s20+$0x8200] =	vst.add.f32.msk $0xffff, v1  }
0xec: {  	[tilespmem:s20+$0x8210] =	vst.add.f32.msk $0xffff, v2  }
0xed: {  	[tilespmem:s20+$0x8220] =	vst.add.f32.msk $0xffff, v3  }
0xee: {  	[tilespmem:s20+$0x8230] =	vst.add.f32.msk $0xffff, v4  }
0xef: {  	[tilespmem:s20+$0x8240] =	vst.add.f32.msk $0xffff, v5  }
0xf0: {  	[tilespmem:s20+$0x8250] =	vst.add.f32.msk $0xffff, v6  }
0xf1: {  	[tilespmem:s20+$0x8260] =	vst.add.f32.msk $0xffff, v7  }
0xf2: {  	[tilespmem:s20+$0x8270] =	vst.add.f32.msk $0xffff, v8  }
0xf3: {  	[tilespmem:s20+$0x8280] =	vst.add.f32.msk $0xffff, v9  }
.Ltmp2:
0xf4: {  	[tilespmem:s20+$0x8290] =	vst.add.f32.msk $0xffff, v10;
	(pc) =	sbr.rel @p0 .LBB2_6-.Ltmp2, $4  }
0xf5: {  	[tilespmem:s20+$0x82A0] =	vst.add.f32.msk $0xffff, v11  }
0xf6: {  	[tilespmem:s20+$0x82B0] =	vst.add.f32.msk $0xffff, v12  }
0xf7: {  	[tilespmem:s20+$0x82C0] =	vst.add.f32.msk $0xffff, v13  }
0xf8: {  	s26 =	sadd.s32 $0x400, s26;
	[tilespmem:s20+$0x82D0] =	vst.add.f32.msk $0xffff, v14  }
0xf9: {  	[tilespmem:s20+$0x82E0] =	vst.add.f32.msk $0xffff, v0;
	s26 =	simm.s32 $0x0  }
0xfa: {  	[hbm4b:s11+s26] =	stream.linear.scatter [tilespmem:s22], [sflag:$0x8], $0x4000, $0x38;
	[tilespmem:$0x1C200] =	vst v63  }
0xfb: {  	_ =	swait.ge [sflag:s24], $0x4000  }
0xfc: {  	[sflag:s24] =	ssyncset.done $0x0  }
0xfd: {  	[sflag:s24] =	ssyncadd.s32 $0xFFFFC000  }
0xfe: {  	_ =	swait.ge [sflag:s0], $0x4000  }
0xff: {  	[sflag:s0] =	ssyncset.done $0x0  }
0x100: {  	s20 =	simm.s32 $0x0;
	[sflag:s0] =	ssyncadd.s32 $0xFFFFC000  }
0x101: {  	v0 =	vld [tilespmem:s20+$0x102F0]  }
0x102: {  	v1 =	vld [tilespmem:s20+$0x10200]  }
0x103: {  	v2 =	vld [tilespmem:s20+$0x10210]  }
0x104: {  	v3 =	vld [tilespmem:s20+$0x10220]  }
0x105: {  	v4 =	vld [tilespmem:s20+$0x10230]  }
0x106: {  	v5 =	vld [tilespmem:s20+$0x10240]  }
0x107: {  	v6 =	vld [tilespmem:s20+$0x10250]  }
0x108: {  	v7 =	vld [tilespmem:s20+$0x10260]  }
0x109: {  	v8 =	vld [tilespmem:s20+$0x10270]  }
0x10a: {  	v9 =	vld [tilespmem:s20+$0x10280]  }
0x10b: {  	v10 =	vld [tilespmem:s20+$0x10290]  }
0x10c: {  	v11 =	vld [tilespmem:s20+$0x102A0]  }
0x10d: {  	v12 =	vld [tilespmem:s20+$0x102B0]  }
0x10e: {  	v13 =	vld [tilespmem:s20+$0x102C0]  }
0x10f: {  	v14 =	vld [tilespmem:s20+$0x102D0]  }
0x110: {  	[tilespmem:s20+$0xC2F0] =	vst.add.f32.msk $0xffff, v0  }
0x111: {  	v0 =	vld [tilespmem:s20+$0x102E0]  }
0x112: {  	[tilespmem:s20+$0xC200] =	vst.add.f32.msk $0xffff, v1  }
0x113: {  	[tilespmem:s20+$0xC210] =	vst.add.f32.msk $0xffff, v2  }
0x114: {  	[tilespmem:s20+$0xC220] =	vst.add.f32.msk $0xffff, v3  }
0x115: {  	[tilespmem:s20+$0xC230] =	vst.add.f32.msk $0xffff, v4  }
0x116: {  	[tilespmem:s20+$0xC240] =	vst.add.f32.msk $0xffff, v5  }
0x117: {  	[tilespmem:s20+$0xC250] =	vst.add.f32.msk $0xffff, v6  }
0x118: {  	[tilespmem:s20+$0xC260] =	vst.add.f32.msk $0xffff, v7  }
0x119: {  	[tilespmem:s20+$0xC270] =	vst.add.f32.msk $0xffff, v8  }
0x11a: {  	[tilespmem:s20+$0xC280] =	vst.add.f32.msk $0xffff, v9  }
0x11b: {  	[tilespmem:s20+$0xC290] =	vst.add.f32.msk $0xffff, v10  }
0x11c: {  	[tilespmem:s20+$0xC2A0] =	vst.add.f32.msk $0xffff, v11  }
0x11d: {  	[tilespmem:s20+$0xC2B0] =	vst.add.f32.msk $0xffff, v12  }
0x11e: {  	[tilespmem:s20+$0xC2C0] =	vst.add.f32.msk $0xffff, v13  }
0x11f: {  	s21 =	simm.s32 $0x0;
	s26 =	simm.s32 $0x400;
	[tilespmem:s20+$0xC2D0] =	vst.add.f32.msk $0xffff, v14  }
.LBB2_8:
0x120: {  	s21 =	sadd.s32 $0x2, s21;
	[tilespmem:s20+$0xC2E0] =	vst.add.f32.msk $0xffff, v0;
	s20 =	sshra.s32 s26, $0x2  }
0x121: {  	v0 =	vld [tilespmem:s20+$0x102F0];
	p0 =	slt.u32 s21, $0x7E  }
0x122: {  	v1 =	vld [tilespmem:s20+$0x10200]  }
0x123: {  	v2 =	vld [tilespmem:s20+$0x10210]  }
0x124: {  	v3 =	vld [tilespmem:s20+$0x10220]  }
0x125: {  	v4 =	vld [tilespmem:s20+$0x10230]  }
0x126: {  	[tilespmem:s20+$0xC2F0] =	vst.add.f32.msk $0xffff, v0  }
0x127: {  	v5 =	vld [tilespmem:s20+$0x10240]  }
0x128: {  	v6 =	vld [tilespmem:s20+$0x10250]  }
0x129: {  	v7 =	vld [tilespmem:s20+$0x10260]  }
0x12a: {  	v8 =	vld [tilespmem:s20+$0x10270]  }
0x12b: {  	v9 =	vld [tilespmem:s20+$0x10280]  }
0x12c: {  	v10 =	vld [tilespmem:s20+$0x10290]  }
0x12d: {  	v11 =	vld [tilespmem:s20+$0x102A0]  }
0x12e: {  	v12 =	vld [tilespmem:s20+$0x102B0]  }
0x12f: {  	v13 =	vld [tilespmem:s20+$0x102C0]  }
0x130: {  	v14 =	vld [tilespmem:s20+$0x102D0]  }
0x131: {  	v0 =	vld [tilespmem:s20+$0x102E0]  }
0x132: {  	[tilespmem:s20+$0xC200] =	vst.add.f32.msk $0xffff, v1  }
0x133: {  	[tilespmem:s20+$0xC210] =	vst.add.f32.msk $0xffff, v2  }
0x134: {  	[tilespmem:s20+$0xC220] =	vst.add.f32.msk $0xffff, v3  }
0x135: {  	[tilespmem:s20+$0xC230] =	vst.add.f32.msk $0xffff, v4  }
0x136: {  	[tilespmem:s20+$0xC240] =	vst.add.f32.msk $0xffff, v5  }
0x137: {  	[tilespmem:s20+$0xC250] =	vst.add.f32.msk $0xffff, v6  }
0x138: {  	[tilespmem:s20+$0xC260] =	vst.add.f32.msk $0xffff, v7  }
0x139: {  	[tilespmem:s20+$0xC270] =	vst.add.f32.msk $0xffff, v8  }
0x13a: {  	[tilespmem:s20+$0xC280] =	vst.add.f32.msk $0xffff, v9  }
.Ltmp3:
0x13b: {  	[tilespmem:s20+$0xC290] =	vst.add.f32.msk $0xffff, v10;
	(pc) =	sbr.rel @p0 .LBB2_8-.Ltmp3, $4  }
0x13c: {  	[tilespmem:s20+$0xC2A0] =	vst.add.f32.msk $0xffff, v11  }
0x13d: {  	[tilespmem:s20+$0xC2B0] =	vst.add.f32.msk $0xffff, v12  }
0x13e: {  	[tilespmem:s20+$0xC2C0] =	vst.add.f32.msk $0xffff, v13  }
0x13f: {  	s26 =	sadd.s32 $0x400, s26;
	[tilespmem:s20+$0xC2D0] =	vst.add.f32.msk $0xffff, v14  }
0x140: {  	[tilespmem:s20+$0xC2E0] =	vst.add.f32.msk $0xffff, v0  }
0x141: {  	[hbm4b:s12+s3] =	stream.linear.scatter [tilespmem:s23], [sflag:$0x8], $0x4000, $0x38;
	[tilespmem:$0x1C200] =	vst v63  }
0x142: {  	_ =	swait.ge [sflag:s2], $0x4000  }
0x143: {  	[sflag:s2] =	ssyncset.done $0x0  }
0x144: {  	[sflag:s2] =	ssyncadd.s32 $0xFFFFC000  }
0x145: {  	_ =	swait.ge [sflag:s2], $0x4000  }
0x146: {  	[sflag:s2] =	ssyncset.done $0x0  }
0x147: {  	s18 =	sadd.s32 $0x1, s18;
	[sflag:s2] =	ssyncadd.s32 $0xFFFFC000  }
0x148: {  	p0 =	sne.s32 s18, s13;
	_ =	swait.ge [sflag:s2], $0x4000  }
.Ltmp4:
0x149: {  	[sflag:s2] =	ssyncset.done $0x0;
	(pc) =	sbr.rel @p0 .LBB2_1-.Ltmp4, $4  }
0x14a: {  	[sflag:s2] =	ssyncadd.s32 $0xFFFFC000  }
0x14b: {  	_ =	swait.ge [sflag:s2], $0x4000  }
0x14c: {  	[sflag:s2] =	ssyncset.done $0x0  }
0x14d: {  	[sflag:s2] =	ssyncadd.s32 $0xFFFFC000  }
0x14e: {  	_ =	sfence.sel $0x180000  }
0x14f: {  	[bflag:$0x0] =	sbarrier.arrive $0xFFFF  }
0x150: {  	_ =	strace $0x90000047  }
0x151: {  	s0 =	stileid.u32;
	[bflag:$0x2] =	sbarrier.arrive $0xFFFF  }
0x152: {  	p0 =	sne.s32 s0, $0x0;
	s0 =	rddreg [dreg:$0x4]  }
0x153: {  	s0 =	sadd.s32 @!p0 $0x100000, s0  }
0x154: {  	[sflag:s0] =	ssyncadd.tile.s32 @!p0 $0x1;
	_ =	shalt  }
.Lfunc_end2:
_tile_overlayer_lowered:
.L_overlay_start_2:
0x155: {  	(tag) =	ssettag $0x2  }
0x156: {  	s0 =	rddreg [dreg:$0x0];
	s2 =	stileid.u32  }
0x157: {  	s1 =	rddreg [dreg:$0x1];
	p0 =	sne.s32 s2, $0x0  }
0x158: {  	s3 =	rddreg [dreg:$0x2];
	[bflag:$0x3] =	sbarrier.arrive $0xFFFF;
	s2 =	simm.s32 @!p0 $0x1C09  }
0x159: {  	[timem:s3], [sflag:s2] =	dma.local @!p0 [hbm:s0], s1  }
0x15a: {  	s0 =	simm.s32 @!p0 $0x9  }
0x15b: {  	_ =	swait.ge @!p0 [sflag:s0], s1  }
0x15c: {  	s1 =	ssub.s32 @!p0 $0x0, s1;
	[sflag:s0] =	ssyncset.done @!p0 $0x0  }
0x15d: {  	[sflag:s0] =	ssyncadd.s32 @!p0 s1  }
0x15e: {  	[bflag:$0x3] =	sbarrier.arrive $0xFFFF  }
0x15f: {  	_ =	shalt  }

</sc_bundles>
